<compile_context>
chip_gen: v7x
topology: tpu7x:2x2x1
jax: 0.10.2.dev20260603
libtpu: 0.0.44.dev20260713+nightly
codegen_flags: <defaults>
</compile_context>

<pallas_src>
import functools

import jax
import jax.numpy as jnp
from jax import lax
from jax.experimental import pallas as pl
from jax.experimental.pallas import tpu as pltpu
from jax.experimental.pallas import tpu_sc as plsc

_B = 16384
_D = 64
_NC = 2
_NS = 16
_NW = _NC * _NS
_BPW = _B // _NW
_AVG = 3.5
_L = 16
_DH = _D // 2
_NG = _BPW // _L


def _body(xt_hbm, user_hbm, item_hbm, wb_hbm, ubias_hbm, ibias_hbm,
          out_hbm, uidx_v, iidx_v, ub_v, ib_v, x_v, wb_v, wsp_v, out_v,
          gsem, xsem0, xsem1):
    wid = lax.axis_index("s") * _NC + lax.axis_index("c")
    base = wid * _BPW

    x0 = pltpu.async_copy(xt_hbm.at[pl.ds(0, _DH), pl.ds(base, _BPW)],
                          x_v.at[pl.ds(0, _DH)], xsem0)

    ui = pltpu.async_copy(user_hbm.at[pl.ds(base, _BPW)], uidx_v, gsem)
    ii = pltpu.async_copy(item_hbm.at[pl.ds(base, _BPW)], iidx_v, gsem)
    ui.wait()
    ii.wait()
    ug = pltpu.async_copy(ubias_hbm.at[uidx_v], ub_v, gsem)
    ig = pltpu.async_copy(ibias_hbm.at[iidx_v], ib_v, gsem)

    x1 = pltpu.async_copy(xt_hbm.at[pl.ds(_DH, _DH), pl.ds(base, _BPW)],
                          x_v.at[pl.ds(_DH, _DH)], xsem1)

    pltpu.sync_copy(wb_hbm, wb_v)

    wv = [wb_v[pl.ds(k * _L, _L)] for k in range(_D // _L)]
    for j in range(_D):
        wsp_v[pl.ds(j * _L, _L)] = jnp.broadcast_to(wv[j // _L][j % _L],
                                                    (_L,))
    bconst = wb_v[pl.ds(_D, _L)]

    def feat(j, accs):
        wj = wsp_v[pl.ds(j * _L, _L)]
        return tuple(accs[g] + x_v[j, pl.ds(g * _L, _L)] * wj
                     for g in range(_NG))

    init = tuple(bconst for _ in range(_NG))
    x0.wait()
    x1.wait()
    accs = lax.fori_loop(0, _D, feat, init)

    ug.wait()
    ig.wait()

    for g in range(_NG):
        c = g * _L
        out_v[pl.ds(c, _L)] = accs[g] + (ub_v[pl.ds(c, _L)]
                                         + ib_v[pl.ds(c, _L)])

    pltpu.sync_copy(out_v, out_hbm.at[pl.ds(base, _BPW)])


@jax.jit
def _run(xt, user, item, wb, ubias_flat, ibias_flat):
    mesh = plsc.VectorSubcoreMesh(core_axis_name="c", subcore_axis_name="s")
    f = functools.partial(
        pl.kernel,
        out_type=jax.ShapeDtypeStruct((_B,), jnp.float32),
        mesh=mesh,
        scratch_types=[
            pltpu.VMEM((_BPW,), jnp.int32),
            pltpu.VMEM((_BPW,), jnp.int32),
            pltpu.VMEM((_BPW,), jnp.float32),
            pltpu.VMEM((_BPW,), jnp.float32),
            pltpu.VMEM((_D, _BPW), jnp.float32),
            pltpu.VMEM((_D + _L,), jnp.float32),
            pltpu.VMEM((_D * _L,), jnp.float32),
            pltpu.VMEM((_BPW,), jnp.float32),
            pltpu.SemaphoreType.DMA,
            pltpu.SemaphoreType.DMA,
            pltpu.SemaphoreType.DMA,
        ],
    )(_body)
    return f(xt, user, item, wb, ubias_flat, ibias_flat)


def kernel(mlp_concat_emebd, user, item, W, b, user_bias, item_bias):
    wb = jnp.concatenate(
        [W.reshape(-1), jnp.broadcast_to(b.reshape(1) + _AVG, (_L,))])
    return _run(mlp_concat_emebd.T, user.astype(jnp.int32),
                item.astype(jnp.int32), wb,
                user_bias.reshape(-1), item_bias.reshape(-1))

# --- scband reference (transcript-rebuilt; emitter-appended) ---
"""Pipeline reference for scband-decoder-rating-26877905339007 (READ-ONLY COPY).

The authoritative reference and input builder live on the scoring server;
editing this copy changes nothing except your own understanding.
"""

import jax, jax.numpy as jnp
import numpy as np

NUM_USERS = 1000000
NUM_ITEMS = 1000000
MLP_DIM = 64
AVG_RATING = 3.5
BATCH = 16384


def setup_inputs(seed: int = 0) -> dict:
    key = jax.random.key(seed)
    k1, k2, k3, k4 = jax.random.split(key, 4)
    mlp_concat_emebd = jax.random.normal(k1, (BATCH, MLP_DIM), dtype=jnp.float32)
    user = jax.random.randint(k2, (BATCH,), 0, NUM_USERS, dtype=jnp.int64 if jax.config.jax_enable_x64 else jnp.int32)
    item = jax.random.randint(k3, (BATCH,), 0, NUM_ITEMS, dtype=jnp.int64 if jax.config.jax_enable_x64 else jnp.int32)
    # final_linear: nn.Linear(MLP_DIM, 1); reinit uses uniform_(-0.05, 0.05) on weight, bias=0
    W = jax.random.uniform(k4, (1, MLP_DIM), minval=-0.05, maxval=0.05, dtype=jnp.float32)
    b = jnp.zeros((1,), dtype=jnp.float32)
    # bias embedding tables are zero-initialized per reinit()
    user_bias = jnp.zeros((NUM_USERS, 1), dtype=jnp.float32)
    item_bias = jnp.zeros((NUM_ITEMS, 1), dtype=jnp.float32)
    return {
        "mlp_concat_emebd": mlp_concat_emebd,
        "user": user,
        "item": item,
        "W": W,
        "b": b,
        "user_bias": user_bias,
        "item_bias": item_bias,
    }


def reference(mlp_concat_emebd, user, item, W, b, user_bias, item_bias):
    # pred = final_linear(x) + avg_rating + user_bias(user) + item_bias(item)
    lin = mlp_concat_emebd @ W.T + b                 # [B, 1]
    ub = jnp.take(user_bias, user, axis=0)           # [B, 1] embedding lookup
    ib = jnp.take(item_bias, item, axis=0)           # [B, 1] embedding lookup
    pred = lin + AVG_RATING + ub + ib                # [B, 1]
    return pred.reshape(-1)                          # view(-1) -> [B]

if __name__ == "__main__":
    import jax
    _d = setup_inputs()
    print(jax.jit(kernel)(*tuple(_d.values())))

</pallas_src>

<mosaic_0001>
#map = affine_map<(d0, d1) -> (0, 0)>
#map1 = affine_map<(d0, d1) -> (0)>
module attributes {stable_mosaic.version = 14 : i64} {
  func.func @_body(%arg0: i32, %arg1: i32, %arg2: memref<64x16384xf32, #tpu.memory_space<hbm>>, %arg3: memref<16384xi32, #tpu.memory_space<hbm>>, %arg4: memref<16384xi32, #tpu.memory_space<hbm>>, %arg5: memref<80xf32, #tpu.memory_space<hbm>>, %arg6: memref<1000000xf32, #tpu.memory_space<hbm>>, %arg7: memref<1000000xf32, #tpu.memory_space<hbm>>, %arg8: memref<16384xf32, #tpu.memory_space<hbm>>, %arg9: memref<512xi32, #tpu.memory_space<vmem>>, %arg10: memref<512xi32, #tpu.memory_space<vmem>>, %arg11: memref<512xf32, #tpu.memory_space<vmem>>, %arg12: memref<512xf32, #tpu.memory_space<vmem>>, %arg13: memref<64x512xf32, #tpu.memory_space<vmem>>, %arg14: memref<80xf32, #tpu.memory_space<vmem>>, %arg15: memref<1024xf32, #tpu.memory_space<vmem>>, %arg16: memref<512xf32, #tpu.memory_space<vmem>>, %arg17: memref<!tpu.dma_semaphore, #tpu.memory_space<semaphore_mem>>, %arg18: memref<!tpu.dma_semaphore, #tpu.memory_space<semaphore_mem>>, %arg19: memref<!tpu.dma_semaphore, #tpu.memory_space<semaphore_mem>>) attributes {dimension_semantics = [#tpu.dimension_semantics<core_parallel>, #tpu.dimension_semantics<subcore_parallel>], iteration_bounds = array<i64: 2, 16>, scalar_prefetch = 0 : i64, scratch_operands = 11 : i64, tpu.core_type = #tpu.core_type<sc_vector_subcore>, window_params = [{transform_indices = #map}, {transform_indices = #map1}, {transform_indices = #map1}, {transform_indices = #map1}, {transform_indices = #map1}, {transform_indices = #map1}, {transform_indices = #map1}]} {
    %mul3A = arith.constant 2 : i32
    %mul3A_0 = arith.muli %arg1, %mul3A : i32
    %add3A = arith.addi %mul3A_0, %arg0 : i32
    %mul3A_1 = arith.constant 512 : i32
    %mul3A_2 = arith.muli %add3A, %mul3A_1 : i32
    %dma_start3A = arith.constant 0 : i32
    %dma_start3A_3 = arith.constant 0 : i32
    %dma_start3A_4 = tpu.memref_slice %arg13[%dma_start3A, %dma_start3A_3] : memref<64x512xf32, #tpu.memory_space<vmem>> -> memref<32x512xf32, #tpu.memory_space<vmem>>
    %dma_start3A_5 = arith.constant 0 : i32
    %dma_start3A_6 = tpu.memref_slice %arg2[%dma_start3A_5, %mul3A_2] : memref<64x16384xf32, #tpu.memory_space<hbm>> -> memref<32x512xf32, #tpu.memory_space<hbm>>
    %dma_start3A_7 = arith.constant 0 : i32
    %dma_start3A_8 = arith.constant 0 : i32
    %dma_start3A_9 = tpu.memref_slice %arg13[%dma_start3A_7, %dma_start3A_8] : memref<64x512xf32, #tpu.memory_space<vmem>> -> memref<32x512xf32, #tpu.memory_space<vmem>>
    %dma_start3A_10 = arith.constant 0 : i32
    %dma_start3A_11 = tpu.memref_slice %arg2[%dma_start3A_10, %mul3A_2] : memref<64x16384xf32, #tpu.memory_space<hbm>> -> memref<32x512xf32, #tpu.memory_space<hbm>>
    tpu.enqueue_dma source(%dma_start3A_11 : memref<32x512xf32, #tpu.memory_space<hbm>>) target(%dma_start3A_9 : memref<32x512xf32, #tpu.memory_space<vmem>>) target_semaphore(%arg18 : memref<!tpu.dma_semaphore, #tpu.memory_space<semaphore_mem>>)
    %dma_start3A_12 = tpu.memref_slice %arg3[%mul3A_2] : memref<16384xi32, #tpu.memory_space<hbm>> -> memref<512xi32, #tpu.memory_space<hbm>>
    %dma_start3A_13 = tpu.memref_slice %arg3[%mul3A_2] : memref<16384xi32, #tpu.memory_space<hbm>> -> memref<512xi32, #tpu.memory_space<hbm>>
    tpu.enqueue_dma source(%dma_start3A_13 : memref<512xi32, #tpu.memory_space<hbm>>) target(%arg9 : memref<512xi32, #tpu.memory_space<vmem>>) target_semaphore(%arg17 : memref<!tpu.dma_semaphore, #tpu.memory_space<semaphore_mem>>)
    %dma_start3A_14 = tpu.memref_slice %arg4[%mul3A_2] : memref<16384xi32, #tpu.memory_space<hbm>> -> memref<512xi32, #tpu.memory_space<hbm>>
    %dma_start3A_15 = tpu.memref_slice %arg4[%mul3A_2] : memref<16384xi32, #tpu.memory_space<hbm>> -> memref<512xi32, #tpu.memory_space<hbm>>
    tpu.enqueue_dma source(%dma_start3A_15 : memref<512xi32, #tpu.memory_space<hbm>>) target(%arg10 : memref<512xi32, #tpu.memory_space<vmem>>) target_semaphore(%arg17 : memref<!tpu.dma_semaphore, #tpu.memory_space<semaphore_mem>>)
    %dma_wait3A = tpu.memref_slice %arg3[%mul3A_2] : memref<16384xi32, #tpu.memory_space<hbm>> -> memref<512xi32, #tpu.memory_space<hbm>>
    %dma_wait3A_16 = tpu.memref_slice %arg3[%mul3A_2] : memref<16384xi32, #tpu.memory_space<hbm>> -> memref<512xi32, #tpu.memory_space<hbm>>
    tpu.wait_dma2 semaphore(%arg17 : memref<!tpu.dma_semaphore, #tpu.memory_space<semaphore_mem>>) src(%dma_wait3A_16 : memref<512xi32, #tpu.memory_space<hbm>>) dst(%arg9 : memref<512xi32, #tpu.memory_space<vmem>>)
    %dma_wait3A_17 = tpu.memref_slice %arg4[%mul3A_2] : memref<16384xi32, #tpu.memory_space<hbm>> -> memref<512xi32, #tpu.memory_space<hbm>>
    %dma_wait3A_18 = tpu.memref_slice %arg4[%mul3A_2] : memref<16384xi32, #tpu.memory_space<hbm>> -> memref<512xi32, #tpu.memory_space<hbm>>
    tpu.wait_dma2 semaphore(%arg17 : memref<!tpu.dma_semaphore, #tpu.memory_space<semaphore_mem>>) src(%dma_wait3A_18 : memref<512xi32, #tpu.memory_space<hbm>>) dst(%arg10 : memref<512xi32, #tpu.memory_space<vmem>>)
    %dma_start3A_19 = arith.constant 0 : i32
    %dma_start3A_20 = tpu.memref_slice %arg6[%dma_start3A_19] : memref<1000000xf32, #tpu.memory_space<hbm>> -> memref<1000000xf32, #tpu.memory_space<hbm>>
    tpu.enqueue_indirect_dma source(%dma_start3A_20 : memref<1000000xf32, #tpu.memory_space<hbm>>) target(%arg11 : memref<512xf32, #tpu.memory_space<vmem>>) offsets(%arg9 : memref<512xi32, #tpu.memory_space<vmem>>) semaphore(%arg17 : memref<!tpu.dma_semaphore, #tpu.memory_space<semaphore_mem>>)
    %dma_start3A_21 = arith.constant 0 : i32
    %dma_start3A_22 = tpu.memref_slice %arg7[%dma_start3A_21] : memref<1000000xf32, #tpu.memory_space<hbm>> -> memref<1000000xf32, #tpu.memory_space<hbm>>
    tpu.enqueue_indirect_dma source(%dma_start3A_22 : memref<1000000xf32, #tpu.memory_space<hbm>>) target(%arg12 : memref<512xf32, #tpu.memory_space<vmem>>) offsets(%arg10 : memref<512xi32, #tpu.memory_space<vmem>>) semaphore(%arg17 : memref<!tpu.dma_semaphore, #tpu.memory_space<semaphore_mem>>)
    %dma_start3A_23 = arith.constant 32 : i32
    %dma_start3A_24 = arith.constant 0 : i32
    %dma_start3A_25 = tpu.memref_slice %arg13[%dma_start3A_23, %dma_start3A_24] : memref<64x512xf32, #tpu.memory_space<vmem>> -> memref<32x512xf32, #tpu.memory_space<vmem>>
    %dma_start3A_26 = arith.constant 32 : i32
    %dma_start3A_27 = tpu.memref_slice %arg2[%dma_start3A_26, %mul3A_2] : memref<64x16384xf32, #tpu.memory_space<hbm>> -> memref<32x512xf32, #tpu.memory_space<hbm>>
    %dma_start3A_28 = arith.constant 32 : i32
    %dma_start3A_29 = arith.constant 0 : i32
    %dma_start3A_30 = tpu.memref_slice %arg13[%dma_start3A_28, %dma_start3A_29] : memref<64x512xf32, #tpu.memory_space<vmem>> -> memref<32x512xf32, #tpu.memory_space<vmem>>
    %dma_start3A_31 = arith.constant 32 : i32
    %dma_start3A_32 = tpu.memref_slice %arg2[%dma_start3A_31, %mul3A_2] : memref<64x16384xf32, #tpu.memory_space<hbm>> -> memref<32x512xf32, #tpu.memory_space<hbm>>
    tpu.enqueue_dma source(%dma_start3A_32 : memref<32x512xf32, #tpu.memory_space<hbm>>) target(%dma_start3A_30 : memref<32x512xf32, #tpu.memory_space<vmem>>) target_semaphore(%arg19 : memref<!tpu.dma_semaphore, #tpu.memory_space<semaphore_mem>>)
    "tpu.region"() ({
      %run_scoped3A = tpu.sem_alloc : memref<!tpu.dma_semaphore, #tpu.memory_space<semaphore_mem>>
      tpu.enqueue_dma source(%arg5 : memref<80xf32, #tpu.memory_space<hbm>>) target(%arg14 : memref<80xf32, #tpu.memory_space<vmem>>) target_semaphore(%run_scoped3A : memref<!tpu.dma_semaphore, #tpu.memory_space<semaphore_mem>>)
      tpu.wait_dma2 semaphore(%run_scoped3A : memref<!tpu.dma_semaphore, #tpu.memory_space<semaphore_mem>>) src(%arg5 : memref<80xf32, #tpu.memory_space<hbm>>) dst(%arg14 : memref<80xf32, #tpu.memory_space<vmem>>)
      tpu.yield
    }) : () -> ()
    %get3A = arith.constant 0 : index
    %get3A_33 = tpu.vector_load %arg14[%get3A] {strides = array<i32>} : memref<80xf32, #tpu.memory_space<vmem>>, vector<16xf32>,
    %get3A_34 = vector.shape_cast %get3A_33 : vector<16xf32> to vector<16xf32>
    %get3A_35 = arith.constant 16 : index
    %get3A_36 = tpu.vector_load %arg14[%get3A_35] {strides = array<i32>} : memref<80xf32, #tpu.memory_space<vmem>>, vector<16xf32>,
    %get3A_37 = vector.shape_cast %get3A_36 : vector<16xf32> to vector<16xf32>
    %get3A_38 = arith.constant 32 : index
    %get3A_39 = tpu.vector_load %arg14[%get3A_38] {strides = array<i32>} : memref<80xf32, #tpu.memory_space<vmem>>, vector<16xf32>,
    %get3A_40 = vector.shape_cast %get3A_39 : vector<16xf32> to vector<16xf32>
    %get3A_41 = arith.constant 48 : index
    %get3A_42 = tpu.vector_load %arg14[%get3A_41] {strides = array<i32>} : memref<80xf32, #tpu.memory_space<vmem>>, vector<16xf32>,
    %get3A_43 = vector.shape_cast %get3A_42 : vector<16xf32> to vector<16xf32>
    %slice3A = vector.extract_strided_slice %get3A_34 {offsets = [0], sizes = [1], strides = [1]} : vector<16xf32> to vector<1xf32>
    %squeeze3A = vector.extract %slice3A[0] : f32 from vector<1xf32>
    %broadcast_in_dim3A = vector.broadcast %squeeze3A : f32 to vector<16xf32>
    %swap3A = arith.constant 0 : index
    %swap3A_44 = tpu.vector_load %arg15[%swap3A] {strides = array<i32>} : memref<1024xf32, #tpu.memory_space<vmem>>, vector<16xf32>,
    %swap3A_45 = vector.shape_cast %swap3A_44 : vector<16xf32> to vector<16xf32>
    %swap3A_46 = vector.shape_cast %broadcast_in_dim3A : vector<16xf32> to vector<16xf32>
    tpu.vector_store %arg15[%swap3A], %swap3A_46 {strides = array<i32>} : memref<1024xf32, #tpu.memory_space<vmem>>, vector<16xf32>,
    %slice3A_47 = vector.extract_strided_slice %get3A_34 {offsets = [1], sizes = [1], strides = [1]} : vector<16xf32> to vector<1xf32>
    %squeeze3A_48 = vector.extract %slice3A_47[0] : f32 from vector<1xf32>
    %broadcast_in_dim3A_49 = vector.broadcast %squeeze3A_48 : f32 to vector<16xf32>
    %swap3A_50 = arith.constant 16 : index
    %swap3A_51 = tpu.vector_load %arg15[%swap3A_50] {strides = array<i32>} : memref<1024xf32, #tpu.memory_space<vmem>>, vector<16xf32>,
    %swap3A_52 = vector.shape_cast %swap3A_51 : vector<16xf32> to vector<16xf32>
    %swap3A_53 = vector.shape_cast %broadcast_in_dim3A_49 : vector<16xf32> to vector<16xf32>
    tpu.vector_store %arg15[%swap3A_50], %swap3A_53 {strides = array<i32>} : memref<1024xf32, #tpu.memory_space<vmem>>, vector<16xf32>,
    %slice3A_54 = vector.extract_strided_slice %get3A_34 {offsets = [2], sizes = [1], strides = [1]} : vector<16xf32> to vector<1xf32>
    %squeeze3A_55 = vector.extract %slice3A_54[0] : f32 from vector<1xf32>
    %broadcast_in_dim3A_56 = vector.broadcast %squeeze3A_55 : f32 to vector<16xf32>
    %swap3A_57 = arith.constant 32 : index
    %swap3A_58 = tpu.vector_load %arg15[%swap3A_57] {strides = array<i32>} : memref<1024xf32, #tpu.memory_space<vmem>>, vector<16xf32>,
    %swap3A_59 = vector.shape_cast %swap3A_58 : vector<16xf32> to vector<16xf32>
    %swap3A_60 = vector.shape_cast %broadcast_in_dim3A_56 : vector<16xf32> to vector<16xf32>
    tpu.vector_store %arg15[%swap3A_57], %swap3A_60 {strides = array<i32>} : memref<1024xf32, #tpu.memory_space<vmem>>, vector<16xf32>,
    %slice3A_61 = vector.extract_strided_slice %get3A_34 {offsets = [3], sizes = [1], strides = [1]} : vector<16xf32> to vector<1xf32>
    %squeeze3A_62 = vector.extract %slice3A_61[0] : f32 from vector<1xf32>
    %broadcast_in_dim3A_63 = vector.broadcast %squeeze3A_62 : f32 to vector<16xf32>
    %swap3A_64 = arith.constant 48 : index
    %swap3A_65 = tpu.vector_load %arg15[%swap3A_64] {strides = array<i32>} : memref<1024xf32, #tpu.memory_space<vmem>>, vector<16xf32>,
    %swap3A_66 = vector.shape_cast %swap3A_65 : vector<16xf32> to vector<16xf32>
    %swap3A_67 = vector.shape_cast %broadcast_in_dim3A_63 : vector<16xf32> to vector<16xf32>
    tpu.vector_store %arg15[%swap3A_64], %swap3A_67 {strides = array<i32>} : memref<1024xf32, #tpu.memory_space<vmem>>, vector<16xf32>,
    %slice3A_68 = vector.extract_strided_slice %get3A_34 {offsets = [4], sizes = [1], strides = [1]} : vector<16xf32> to vector<1xf32>
    %squeeze3A_69 = vector.extract %slice3A_68[0] : f32 from vector<1xf32>
    %broadcast_in_dim3A_70 = vector.broadcast %squeeze3A_69 : f32 to vector<16xf32>
    %swap3A_71 = arith.constant 64 : index
    %swap3A_72 = tpu.vector_load %arg15[%swap3A_71] {strides = array<i32>} : memref<1024xf32, #tpu.memory_space<vmem>>, vector<16xf32>,
    %swap3A_73 = vector.shape_cast %swap3A_72 : vector<16xf32> to vector<16xf32>
    %swap3A_74 = vector.shape_cast %broadcast_in_dim3A_70 : vector<16xf32> to vector<16xf32>
    tpu.vector_store %arg15[%swap3A_71], %swap3A_74 {strides = array<i32>} : memref<1024xf32, #tpu.memory_space<vmem>>, vector<16xf32>,
    %slice3A_75 = vector.extract_strided_slice %get3A_34 {offsets = [5], sizes = [1], strides = [1]} : vector<16xf32> to vector<1xf32>
    %squeeze3A_76 = vector.extract %slice3A_75[0] : f32 from vector<1xf32>
    %broadcast_in_dim3A_77 = vector.broadcast %squeeze3A_76 : f32 to vector<16xf32>
    %swap3A_78 = arith.constant 80 : index
    %swap3A_79 = tpu.vector_load %arg15[%swap3A_78] {strides = array<i32>} : memref<1024xf32, #tpu.memory_space<vmem>>, vector<16xf32>,
    %swap3A_80 = vector.shape_cast %swap3A_79 : vector<16xf32> to vector<16xf32>
    %swap3A_81 = vector.shape_cast %broadcast_in_dim3A_77 : vector<16xf32> to vector<16xf32>
    tpu.vector_store %arg15[%swap3A_78], %swap3A_81 {strides = array<i32>} : memref<1024xf32, #tpu.memory_space<vmem>>, vector<16xf32>,
    %slice3A_82 = vector.extract_strided_slice %get3A_34 {offsets = [6], sizes = [1], strides = [1]} : vector<16xf32> to vector<1xf32>
    %squeeze3A_83 = vector.extract %slice3A_82[0] : f32 from vector<1xf32>
    %broadcast_in_dim3A_84 = vector.broadcast %squeeze3A_83 : f32 to vector<16xf32>
    %swap3A_85 = arith.constant 96 : index
    %swap3A_86 = tpu.vector_load %arg15[%swap3A_85] {strides = array<i32>} : memref<1024xf32, #tpu.memory_space<vmem>>, vector<16xf32>,
    %swap3A_87 = vector.shape_cast %swap3A_86 : vector<16xf32> to vector<16xf32>
    %swap3A_88 = vector.shape_cast %broadcast_in_dim3A_84 : vector<16xf32> to vector<16xf32>
    tpu.vector_store %arg15[%swap3A_85], %swap3A_88 {strides = array<i32>} : memref<1024xf32, #tpu.memory_space<vmem>>, vector<16xf32>,
    %slice3A_89 = vector.extract_strided_slice %get3A_34 {offsets = [7], sizes = [1], strides = [1]} : vector<16xf32> to vector<1xf32>
    %squeeze3A_90 = vector.extract %slice3A_89[0] : f32 from vector<1xf32>
    %broadcast_in_dim3A_91 = vector.broadcast %squeeze3A_90 : f32 to vector<16xf32>
    %swap3A_92 = arith.constant 112 : index
    %swap3A_93 = tpu.vector_load %arg15[%swap3A_92] {strides = array<i32>} : memref<1024xf32, #tpu.memory_space<vmem>>, vector<16xf32>,
    %swap3A_94 = vector.shape_cast %swap3A_93 : vector<16xf32> to vector<16xf32>
    %swap3A_95 = vector.shape_cast %broadcast_in_dim3A_91 : vector<16xf32> to vector<16xf32>
    tpu.vector_store %arg15[%swap3A_92], %swap3A_95 {strides = array<i32>} : memref<1024xf32, #tpu.memory_space<vmem>>, vector<16xf32>,
    %slice3A_96 = vector.extract_strided_slice %get3A_34 {offsets = [8], sizes = [1], strides = [1]} : vector<16xf32> to vector<1xf32>
    %squeeze3A_97 = vector.extract %slice3A_96[0] : f32 from vector<1xf32>
    %broadcast_in_dim3A_98 = vector.broadcast %squeeze3A_97 : f32 to vector<16xf32>
    %swap3A_99 = arith.constant 128 : index
    %swap3A_100 = tpu.vector_load %arg15[%swap3A_99] {strides = array<i32>} : memref<1024xf32, #tpu.memory_space<vmem>>, vector<16xf32>,
    %swap3A_101 = vector.shape_cast %swap3A_100 : vector<16xf32> to vector<16xf32>
    %swap3A_102 = vector.shape_cast %broadcast_in_dim3A_98 : vector<16xf32> to vector<16xf32>
    tpu.vector_store %arg15[%swap3A_99], %swap3A_102 {strides = array<i32>} : memref<1024xf32, #tpu.memory_space<vmem>>, vector<16xf32>,
    %slice3A_103 = vector.extract_strided_slice %get3A_34 {offsets = [9], sizes = [1], strides = [1]} : vector<16xf32> to vector<1xf32>
    %squeeze3A_104 = vector.extract %slice3A_103[0] : f32 from vector<1xf32>
    %broadcast_in_dim3A_105 = vector.broadcast %squeeze3A_104 : f32 to vector<16xf32>
    %swap3A_106 = arith.constant 144 : index
    %swap3A_107 = tpu.vector_load %arg15[%swap3A_106] {strides = array<i32>} : memref<1024xf32, #tpu.memory_space<vmem>>, vector<16xf32>,
    %swap3A_108 = vector.shape_cast %swap3A_107 : vector<16xf32> to vector<16xf32>
    %swap3A_109 = vector.shape_cast %broadcast_in_dim3A_105 : vector<16xf32> to vector<16xf32>
    tpu.vector_store %arg15[%swap3A_106], %swap3A_109 {strides = array<i32>} : memref<1024xf32, #tpu.memory_space<vmem>>, vector<16xf32>,
    %slice3A_110 = vector.extract_strided_slice %get3A_34 {offsets = [10], sizes = [1], strides = [1]} : vector<16xf32> to vector<1xf32>
    %squeeze3A_111 = vector.extract %slice3A_110[0] : f32 from vector<1xf32>
    %broadcast_in_dim3A_112 = vector.broadcast %squeeze3A_111 : f32 to vector<16xf32>
    %swap3A_113 = arith.constant 160 : index
    %swap3A_114 = tpu.vector_load %arg15[%swap3A_113] {strides = array<i32>} : memref<1024xf32, #tpu.memory_space<vmem>>, vector<16xf32>,
    %swap3A_115 = vector.shape_cast %swap3A_114 : vector<16xf32> to vector<16xf32>
    %swap3A_116 = vector.shape_cast %broadcast_in_dim3A_112 : vector<16xf32> to vector<16xf32>
    tpu.vector_store %arg15[%swap3A_113], %swap3A_116 {strides = array<i32>} : memref<1024xf32, #tpu.memory_space<vmem>>, vector<16xf32>,
    %slice3A_117 = vector.extract_strided_slice %get3A_34 {offsets = [11], sizes = [1], strides = [1]} : vector<16xf32> to vector<1xf32>
    %squeeze3A_118 = vector.extract %slice3A_117[0] : f32 from vector<1xf32>
    %broadcast_in_dim3A_119 = vector.broadcast %squeeze3A_118 : f32 to vector<16xf32>
    %swap3A_120 = arith.constant 176 : index
    %swap3A_121 = tpu.vector_load %arg15[%swap3A_120] {strides = array<i32>} : memref<1024xf32, #tpu.memory_space<vmem>>, vector<16xf32>,
    %swap3A_122 = vector.shape_cast %swap3A_121 : vector<16xf32> to vector<16xf32>
    %swap3A_123 = vector.shape_cast %broadcast_in_dim3A_119 : vector<16xf32> to vector<16xf32>
    tpu.vector_store %arg15[%swap3A_120], %swap3A_123 {strides = array<i32>} : memref<1024xf32, #tpu.memory_space<vmem>>, vector<16xf32>,
    %slice3A_124 = vector.extract_strided_slice %get3A_34 {offsets = [12], sizes = [1], strides = [1]} : vector<16xf32> to vector<1xf32>
    %squeeze3A_125 = vector.extract %slice3A_124[0] : f32 from vector<1xf32>
    %broadcast_in_dim3A_126 = vector.broadcast %squeeze3A_125 : f32 to vector<16xf32>
    %swap3A_127 = arith.constant 192 : index
    %swap3A_128 = tpu.vector_load %arg15[%swap3A_127] {strides = array<i32>} : memref<1024xf32, #tpu.memory_space<vmem>>, vector<16xf32>,
    %swap3A_129 = vector.shape_cast %swap3A_128 : vector<16xf32> to vector<16xf32>
    %swap3A_130 = vector.shape_cast %broadcast_in_dim3A_126 : vector<16xf32> to vector<16xf32>
    tpu.vector_store %arg15[%swap3A_127], %swap3A_130 {strides = array<i32>} : memref<1024xf32, #tpu.memory_space<vmem>>, vector<16xf32>,
    %slice3A_131 = vector.extract_strided_slice %get3A_34 {offsets = [13], sizes = [1], strides = [1]} : vector<16xf32> to vector<1xf32>
    %squeeze3A_132 = vector.extract %slice3A_131[0] : f32 from vector<1xf32>
    %broadcast_in_dim3A_133 = vector.broadcast %squeeze3A_132 : f32 to vector<16xf32>
    %swap3A_134 = arith.constant 208 : index
    %swap3A_135 = tpu.vector_load %arg15[%swap3A_134] {strides = array<i32>} : memref<1024xf32, #tpu.memory_space<vmem>>, vector<16xf32>,
    %swap3A_136 = vector.shape_cast %swap3A_135 : vector<16xf32> to vector<16xf32>
    %swap3A_137 = vector.shape_cast %broadcast_in_dim3A_133 : vector<16xf32> to vector<16xf32>
    tpu.vector_store %arg15[%swap3A_134], %swap3A_137 {strides = array<i32>} : memref<1024xf32, #tpu.memory_space<vmem>>, vector<16xf32>,
    %slice3A_138 = vector.extract_strided_slice %get3A_34 {offsets = [14], sizes = [1], strides = [1]} : vector<16xf32> to vector<1xf32>
    %squeeze3A_139 = vector.extract %slice3A_138[0] : f32 from vector<1xf32>
    %broadcast_in_dim3A_140 = vector.broadcast %squeeze3A_139 : f32 to vector<16xf32>
    %swap3A_141 = arith.constant 224 : index
    %swap3A_142 = tpu.vector_load %arg15[%swap3A_141] {strides = array<i32>} : memref<1024xf32, #tpu.memory_space<vmem>>, vector<16xf32>,
    %swap3A_143 = vector.shape_cast %swap3A_142 : vector<16xf32> to vector<16xf32>
    %swap3A_144 = vector.shape_cast %broadcast_in_dim3A_140 : vector<16xf32> to vector<16xf32>
    tpu.vector_store %arg15[%swap3A_141], %swap3A_144 {strides = array<i32>} : memref<1024xf32, #tpu.memory_space<vmem>>, vector<16xf32>,
    %slice3A_145 = vector.extract_strided_slice %get3A_34 {offsets = [15], sizes = [1], strides = [1]} : vector<16xf32> to vector<1xf32>
    %squeeze3A_146 = vector.extract %slice3A_145[0] : f32 from vector<1xf32>
    %broadcast_in_dim3A_147 = vector.broadcast %squeeze3A_146 : f32 to vector<16xf32>
    %swap3A_148 = arith.constant 240 : index
    %swap3A_149 = tpu.vector_load %arg15[%swap3A_148] {strides = array<i32>} : memref<1024xf32, #tpu.memory_space<vmem>>, vector<16xf32>,
    %swap3A_150 = vector.shape_cast %swap3A_149 : vector<16xf32> to vector<16xf32>
    %swap3A_151 = vector.shape_cast %broadcast_in_dim3A_147 : vector<16xf32> to vector<16xf32>
    tpu.vector_store %arg15[%swap3A_148], %swap3A_151 {strides = array<i32>} : memref<1024xf32, #tpu.memory_space<vmem>>, vector<16xf32>,
    %slice3A_152 = vector.extract_strided_slice %get3A_37 {offsets = [0], sizes = [1], strides = [1]} : vector<16xf32> to vector<1xf32>
    %squeeze3A_153 = vector.extract %slice3A_152[0] : f32 from vector<1xf32>
    %broadcast_in_dim3A_154 = vector.broadcast %squeeze3A_153 : f32 to vector<16xf32>
    %swap3A_155 = arith.constant 256 : index
    %swap3A_156 = tpu.vector_load %arg15[%swap3A_155] {strides = array<i32>} : memref<1024xf32, #tpu.memory_space<vmem>>, vector<16xf32>,
    %swap3A_157 = vector.shape_cast %swap3A_156 : vector<16xf32> to vector<16xf32>
    %swap3A_158 = vector.shape_cast %broadcast_in_dim3A_154 : vector<16xf32> to vector<16xf32>
    tpu.vector_store %arg15[%swap3A_155], %swap3A_158 {strides = array<i32>} : memref<1024xf32, #tpu.memory_space<vmem>>, vector<16xf32>,
    %slice3A_159 = vector.extract_strided_slice %get3A_37 {offsets = [1], sizes = [1], strides = [1]} : vector<16xf32> to vector<1xf32>
    %squeeze3A_160 = vector.extract %slice3A_159[0] : f32 from vector<1xf32>
    %broadcast_in_dim3A_161 = vector.broadcast %squeeze3A_160 : f32 to vector<16xf32>
    %swap3A_162 = arith.constant 272 : index
    %swap3A_163 = tpu.vector_load %arg15[%swap3A_162] {strides = array<i32>} : memref<1024xf32, #tpu.memory_space<vmem>>, vector<16xf32>,
    %swap3A_164 = vector.shape_cast %swap3A_163 : vector<16xf32> to vector<16xf32>
    %swap3A_165 = vector.shape_cast %broadcast_in_dim3A_161 : vector<16xf32> to vector<16xf32>
    tpu.vector_store %arg15[%swap3A_162], %swap3A_165 {strides = array<i32>} : memref<1024xf32, #tpu.memory_space<vmem>>, vector<16xf32>,
    %slice3A_166 = vector.extract_strided_slice %get3A_37 {offsets = [2], sizes = [1], strides = [1]} : vector<16xf32> to vector<1xf32>
    %squeeze3A_167 = vector.extract %slice3A_166[0] : f32 from vector<1xf32>
    %broadcast_in_dim3A_168 = vector.broadcast %squeeze3A_167 : f32 to vector<16xf32>
    %swap3A_169 = arith.constant 288 : index
    %swap3A_170 = tpu.vector_load %arg15[%swap3A_169] {strides = array<i32>} : memref<1024xf32, #tpu.memory_space<vmem>>, vector<16xf32>,
    %swap3A_171 = vector.shape_cast %swap3A_170 : vector<16xf32> to vector<16xf32>
    %swap3A_172 = vector.shape_cast %broadcast_in_dim3A_168 : vector<16xf32> to vector<16xf32>
    tpu.vector_store %arg15[%swap3A_169], %swap3A_172 {strides = array<i32>} : memref<1024xf32, #tpu.memory_space<vmem>>, vector<16xf32>,
    %slice3A_173 = vector.extract_strided_slice %get3A_37 {offsets = [3], sizes = [1], strides = [1]} : vector<16xf32> to vector<1xf32>
    %squeeze3A_174 = vector.extract %slice3A_173[0] : f32 from vector<1xf32>
    %broadcast_in_dim3A_175 = vector.broadcast %squeeze3A_174 : f32 to vector<16xf32>
    %swap3A_176 = arith.constant 304 : index
    %swap3A_177 = tpu.vector_load %arg15[%swap3A_176] {strides = array<i32>} : memref<1024xf32, #tpu.memory_space<vmem>>, vector<16xf32>,
    %swap3A_178 = vector.shape_cast %swap3A_177 : vector<16xf32> to vector<16xf32>
    %swap3A_179 = vector.shape_cast %broadcast_in_dim3A_175 : vector<16xf32> to vector<16xf32>
    tpu.vector_store %arg15[%swap3A_176], %swap3A_179 {strides = array<i32>} : memref<1024xf32, #tpu.memory_space<vmem>>, vector<16xf32>,
    %slice3A_180 = vector.extract_strided_slice %get3A_37 {offsets = [4], sizes = [1], strides = [1]} : vector<16xf32> to vector<1xf32>
    %squeeze3A_181 = vector.extract %slice3A_180[0] : f32 from vector<1xf32>
    %broadcast_in_dim3A_182 = vector.broadcast %squeeze3A_181 : f32 to vector<16xf32>
    %swap3A_183 = arith.constant 320 : index
    %swap3A_184 = tpu.vector_load %arg15[%swap3A_183] {strides = array<i32>} : memref<1024xf32, #tpu.memory_space<vmem>>, vector<16xf32>,
    %swap3A_185 = vector.shape_cast %swap3A_184 : vector<16xf32> to vector<16xf32>
    %swap3A_186 = vector.shape_cast %broadcast_in_dim3A_182 : vector<16xf32> to vector<16xf32>
    tpu.vector_store %arg15[%swap3A_183], %swap3A_186 {strides = array<i32>} : memref<1024xf32, #tpu.memory_space<vmem>>, vector<16xf32>,
    %slice3A_187 = vector.extract_strided_slice %get3A_37 {offsets = [5], sizes = [1], strides = [1]} : vector<16xf32> to vector<1xf32>
    %squeeze3A_188 = vector.extract %slice3A_187[0] : f32 from vector<1xf32>
    %broadcast_in_dim3A_189 = vector.broadcast %squeeze3A_188 : f32 to vector<16xf32>
    %swap3A_190 = arith.constant 336 : index
    %swap3A_191 = tpu.vector_load %arg15[%swap3A_190] {strides = array<i32>} : memref<1024xf32, #tpu.memory_space<vmem>>, vector<16xf32>,
    %swap3A_192 = vector.shape_cast %swap3A_191 : vector<16xf32> to vector<16xf32>
    %swap3A_193 = vector.shape_cast %broadcast_in_dim3A_189 : vector<16xf32> to vector<16xf32>
    tpu.vector_store %arg15[%swap3A_190], %swap3A_193 {strides = array<i32>} : memref<1024xf32, #tpu.memory_space<vmem>>, vector<16xf32>,
    %slice3A_194 = vector.extract_strided_slice %get3A_37 {offsets = [6], sizes = [1], strides = [1]} : vector<16xf32> to vector<1xf32>
    %squeeze3A_195 = vector.extract %slice3A_194[0] : f32 from vector<1xf32>
    %broadcast_in_dim3A_196 = vector.broadcast %squeeze3A_195 : f32 to vector<16xf32>
    %swap3A_197 = arith.constant 352 : index
    %swap3A_198 = tpu.vector_load %arg15[%swap3A_197] {strides = array<i32>} : memref<1024xf32, #tpu.memory_space<vmem>>, vector<16xf32>,
    %swap3A_199 = vector.shape_cast %swap3A_198 : vector<16xf32> to vector<16xf32>
    %swap3A_200 = vector.shape_cast %broadcast_in_dim3A_196 : vector<16xf32> to vector<16xf32>
    tpu.vector_store %arg15[%swap3A_197], %swap3A_200 {strides = array<i32>} : memref<1024xf32, #tpu.memory_space<vmem>>, vector<16xf32>,
    %slice3A_201 = vector.extract_strided_slice %get3A_37 {offsets = [7], sizes = [1], strides = [1]} : vector<16xf32> to vector<1xf32>
    %squeeze3A_202 = vector.extract %slice3A_201[0] : f32 from vector<1xf32>
    %broadcast_in_dim3A_203 = vector.broadcast %squeeze3A_202 : f32 to vector<16xf32>
    %swap3A_204 = arith.constant 368 : index
    %swap3A_205 = tpu.vector_load %arg15[%swap3A_204] {strides = array<i32>} : memref<1024xf32, #tpu.memory_space<vmem>>, vector<16xf32>,
    %swap3A_206 = vector.shape_cast %swap3A_205 : vector<16xf32> to vector<16xf32>
    %swap3A_207 = vector.shape_cast %broadcast_in_dim3A_203 : vector<16xf32> to vector<16xf32>
    tpu.vector_store %arg15[%swap3A_204], %swap3A_207 {strides = array<i32>} : memref<1024xf32, #tpu.memory_space<vmem>>, vector<16xf32>,
    %slice3A_208 = vector.extract_strided_slice %get3A_37 {offsets = [8], sizes = [1], strides = [1]} : vector<16xf32> to vector<1xf32>
    %squeeze3A_209 = vector.extract %slice3A_208[0] : f32 from vector<1xf32>
    %broadcast_in_dim3A_210 = vector.broadcast %squeeze3A_209 : f32 to vector<16xf32>
    %swap3A_211 = arith.constant 384 : index
    %swap3A_212 = tpu.vector_load %arg15[%swap3A_211] {strides = array<i32>} : memref<1024xf32, #tpu.memory_space<vmem>>, vector<16xf32>,
    %swap3A_213 = vector.shape_cast %swap3A_212 : vector<16xf32> to vector<16xf32>
    %swap3A_214 = vector.shape_cast %broadcast_in_dim3A_210 : vector<16xf32> to vector<16xf32>
    tpu.vector_store %arg15[%swap3A_211], %swap3A_214 {strides = array<i32>} : memref<1024xf32, #tpu.memory_space<vmem>>, vector<16xf32>,
    %slice3A_215 = vector.extract_strided_slice %get3A_37 {offsets = [9], sizes = [1], strides = [1]} : vector<16xf32> to vector<1xf32>
    %squeeze3A_216 = vector.extract %slice3A_215[0] : f32 from vector<1xf32>
    %broadcast_in_dim3A_217 = vector.broadcast %squeeze3A_216 : f32 to vector<16xf32>
    %swap3A_218 = arith.constant 400 : index
    %swap3A_219 = tpu.vector_load %arg15[%swap3A_218] {strides = array<i32>} : memref<1024xf32, #tpu.memory_space<vmem>>, vector<16xf32>,
    %swap3A_220 = vector.shape_cast %swap3A_219 : vector<16xf32> to vector<16xf32>
    %swap3A_221 = vector.shape_cast %broadcast_in_dim3A_217 : vector<16xf32> to vector<16xf32>
    tpu.vector_store %arg15[%swap3A_218], %swap3A_221 {strides = array<i32>} : memref<1024xf32, #tpu.memory_space<vmem>>, vector<16xf32>,
    %slice3A_222 = vector.extract_strided_slice %get3A_37 {offsets = [10], sizes = [1], strides = [1]} : vector<16xf32> to vector<1xf32>
    %squeeze3A_223 = vector.extract %slice3A_222[0] : f32 from vector<1xf32>
    %broadcast_in_dim3A_224 = vector.broadcast %squeeze3A_223 : f32 to vector<16xf32>
    %swap3A_225 = arith.constant 416 : index
    %swap3A_226 = tpu.vector_load %arg15[%swap3A_225] {strides = array<i32>} : memref<1024xf32, #tpu.memory_space<vmem>>, vector<16xf32>,
    %swap3A_227 = vector.shape_cast %swap3A_226 : vector<16xf32> to vector<16xf32>
    %swap3A_228 = vector.shape_cast %broadcast_in_dim3A_224 : vector<16xf32> to vector<16xf32>
    tpu.vector_store %arg15[%swap3A_225], %swap3A_228 {strides = array<i32>} : memref<1024xf32, #tpu.memory_space<vmem>>, vector<16xf32>,
    %slice3A_229 = vector.extract_strided_slice %get3A_37 {offsets = [11], sizes = [1], strides = [1]} : vector<16xf32> to vector<1xf32>
    %squeeze3A_230 = vector.extract %slice3A_229[0] : f32 from vector<1xf32>
    %broadcast_in_dim3A_231 = vector.broadcast %squeeze3A_230 : f32 to vector<16xf32>
    %swap3A_232 = arith.constant 432 : index
    %swap3A_233 = tpu.vector_load %arg15[%swap3A_232] {strides = array<i32>} : memref<1024xf32, #tpu.memory_space<vmem>>, vector<16xf32>,
    %swap3A_234 = vector.shape_cast %swap3A_233 : vector<16xf32> to vector<16xf32>
    %swap3A_235 = vector.shape_cast %broadcast_in_dim3A_231 : vector<16xf32> to vector<16xf32>
    tpu.vector_store %arg15[%swap3A_232], %swap3A_235 {strides = array<i32>} : memref<1024xf32, #tpu.memory_space<vmem>>, vector<16xf32>,
    %slice3A_236 = vector.extract_strided_slice %get3A_37 {offsets = [12], sizes = [1], strides = [1]} : vector<16xf32> to vector<1xf32>
    %squeeze3A_237 = vector.extract %slice3A_236[0] : f32 from vector<1xf32>
    %broadcast_in_dim3A_238 = vector.broadcast %squeeze3A_237 : f32 to vector<16xf32>
    %swap3A_239 = arith.constant 448 : index
    %swap3A_240 = tpu.vector_load %arg15[%swap3A_239] {strides = array<i32>} : memref<1024xf32, #tpu.memory_space<vmem>>, vector<16xf32>,
    %swap3A_241 = vector.shape_cast %swap3A_240 : vector<16xf32> to vector<16xf32>
    %swap3A_242 = vector.shape_cast %broadcast_in_dim3A_238 : vector<16xf32> to vector<16xf32>
    tpu.vector_store %arg15[%swap3A_239], %swap3A_242 {strides = array<i32>} : memref<1024xf32, #tpu.memory_space<vmem>>, vector<16xf32>,
    %slice3A_243 = vector.extract_strided_slice %get3A_37 {offsets = [13], sizes = [1], strides = [1]} : vector<16xf32> to vector<1xf32>
    %squeeze3A_244 = vector.extract %slice3A_243[0] : f32 from vector<1xf32>
    %broadcast_in_dim3A_245 = vector.broadcast %squeeze3A_244 : f32 to vector<16xf32>
    %swap3A_246 = arith.constant 464 : index
    %swap3A_247 = tpu.vector_load %arg15[%swap3A_246] {strides = array<i32>} : memref<1024xf32, #tpu.memory_space<vmem>>, vector<16xf32>,
    %swap3A_248 = vector.shape_cast %swap3A_247 : vector<16xf32> to vector<16xf32>
    %swap3A_249 = vector.shape_cast %broadcast_in_dim3A_245 : vector<16xf32> to vector<16xf32>
    tpu.vector_store %arg15[%swap3A_246], %swap3A_249 {strides = array<i32>} : memref<1024xf32, #tpu.memory_space<vmem>>, vector<16xf32>,
    %slice3A_250 = vector.extract_strided_slice %get3A_37 {offsets = [14], sizes = [1], strides = [1]} : vector<16xf32> to vector<1xf32>
    %squeeze3A_251 = vector.extract %slice3A_250[0] : f32 from vector<1xf32>
    %broadcast_in_dim3A_252 = vector.broadcast %squeeze3A_251 : f32 to vector<16xf32>
    %swap3A_253 = arith.constant 480 : index
    %swap3A_254 = tpu.vector_load %arg15[%swap3A_253] {strides = array<i32>} : memref<1024xf32, #tpu.memory_space<vmem>>, vector<16xf32>,
    %swap3A_255 = vector.shape_cast %swap3A_254 : vector<16xf32> to vector<16xf32>
    %swap3A_256 = vector.shape_cast %broadcast_in_dim3A_252 : vector<16xf32> to vector<16xf32>
    tpu.vector_store %arg15[%swap3A_253], %swap3A_256 {strides = array<i32>} : memref<1024xf32, #tpu.memory_space<vmem>>, vector<16xf32>,
    %slice3A_257 = vector.extract_strided_slice %get3A_37 {offsets = [15], sizes = [1], strides = [1]} : vector<16xf32> to vector<1xf32>
    %squeeze3A_258 = vector.extract %slice3A_257[0] : f32 from vector<1xf32>
    %broadcast_in_dim3A_259 = vector.broadcast %squeeze3A_258 : f32 to vector<16xf32>
    %swap3A_260 = arith.constant 496 : index
    %swap3A_261 = tpu.vector_load %arg15[%swap3A_260] {strides = array<i32>} : memref<1024xf32, #tpu.memory_space<vmem>>, vector<16xf32>,
    %swap3A_262 = vector.shape_cast %swap3A_261 : vector<16xf32> to vector<16xf32>
    %swap3A_263 = vector.shape_cast %broadcast_in_dim3A_259 : vector<16xf32> to vector<16xf32>
    tpu.vector_store %arg15[%swap3A_260], %swap3A_263 {strides = array<i32>} : memref<1024xf32, #tpu.memory_space<vmem>>, vector<16xf32>,
    %slice3A_264 = vector.extract_strided_slice %get3A_40 {offsets = [0], sizes = [1], strides = [1]} : vector<16xf32> to vector<1xf32>
    %squeeze3A_265 = vector.extract %slice3A_264[0] : f32 from vector<1xf32>
    %broadcast_in_dim3A_266 = vector.broadcast %squeeze3A_265 : f32 to vector<16xf32>
    %swap3A_267 = arith.constant 512 : index
    %swap3A_268 = tpu.vector_load %arg15[%swap3A_267] {strides = array<i32>} : memref<1024xf32, #tpu.memory_space<vmem>>, vector<16xf32>,
    %swap3A_269 = vector.shape_cast %swap3A_268 : vector<16xf32> to vector<16xf32>
    %swap3A_270 = vector.shape_cast %broadcast_in_dim3A_266 : vector<16xf32> to vector<16xf32>
    tpu.vector_store %arg15[%swap3A_267], %swap3A_270 {strides = array<i32>} : memref<1024xf32, #tpu.memory_space<vmem>>, vector<16xf32>,
    %slice3A_271 = vector.extract_strided_slice %get3A_40 {offsets = [1], sizes = [1], strides = [1]} : vector<16xf32> to vector<1xf32>
    %squeeze3A_272 = vector.extract %slice3A_271[0] : f32 from vector<1xf32>
    %broadcast_in_dim3A_273 = vector.broadcast %squeeze3A_272 : f32 to vector<16xf32>
    %swap3A_274 = arith.constant 528 : index
    %swap3A_275 = tpu.vector_load %arg15[%swap3A_274] {strides = array<i32>} : memref<1024xf32, #tpu.memory_space<vmem>>, vector<16xf32>,
    %swap3A_276 = vector.shape_cast %swap3A_275 : vector<16xf32> to vector<16xf32>
    %swap3A_277 = vector.shape_cast %broadcast_in_dim3A_273 : vector<16xf32> to vector<16xf32>
    tpu.vector_store %arg15[%swap3A_274], %swap3A_277 {strides = array<i32>} : memref<1024xf32, #tpu.memory_space<vmem>>, vector<16xf32>,
    %slice3A_278 = vector.extract_strided_slice %get3A_40 {offsets = [2], sizes = [1], strides = [1]} : vector<16xf32> to vector<1xf32>
    %squeeze3A_279 = vector.extract %slice3A_278[0] : f32 from vector<1xf32>
    %broadcast_in_dim3A_280 = vector.broadcast %squeeze3A_279 : f32 to vector<16xf32>
    %swap3A_281 = arith.constant 544 : index
    %swap3A_282 = tpu.vector_load %arg15[%swap3A_281] {strides = array<i32>} : memref<1024xf32, #tpu.memory_space<vmem>>, vector<16xf32>,
    %swap3A_283 = vector.shape_cast %swap3A_282 : vector<16xf32> to vector<16xf32>
    %swap3A_284 = vector.shape_cast %broadcast_in_dim3A_280 : vector<16xf32> to vector<16xf32>
    tpu.vector_store %arg15[%swap3A_281], %swap3A_284 {strides = array<i32>} : memref<1024xf32, #tpu.memory_space<vmem>>, vector<16xf32>,
    %slice3A_285 = vector.extract_strided_slice %get3A_40 {offsets = [3], sizes = [1], strides = [1]} : vector<16xf32> to vector<1xf32>
    %squeeze3A_286 = vector.extract %slice3A_285[0] : f32 from vector<1xf32>
    %broadcast_in_dim3A_287 = vector.broadcast %squeeze3A_286 : f32 to vector<16xf32>
    %swap3A_288 = arith.constant 560 : index
    %swap3A_289 = tpu.vector_load %arg15[%swap3A_288] {strides = array<i32>} : memref<1024xf32, #tpu.memory_space<vmem>>, vector<16xf32>,
    %swap3A_290 = vector.shape_cast %swap3A_289 : vector<16xf32> to vector<16xf32>
    %swap3A_291 = vector.shape_cast %broadcast_in_dim3A_287 : vector<16xf32> to vector<16xf32>
    tpu.vector_store %arg15[%swap3A_288], %swap3A_291 {strides = array<i32>} : memref<1024xf32, #tpu.memory_space<vmem>>, vector<16xf32>,
    %slice3A_292 = vector.extract_strided_slice %get3A_40 {offsets = [4], sizes = [1], strides = [1]} : vector<16xf32> to vector<1xf32>
    %squeeze3A_293 = vector.extract %slice3A_292[0] : f32 from vector<1xf32>
    %broadcast_in_dim3A_294 = vector.broadcast %squeeze3A_293 : f32 to vector<16xf32>
    %swap3A_295 = arith.constant 576 : index
    %swap3A_296 = tpu.vector_load %arg15[%swap3A_295] {strides = array<i32>} : memref<1024xf32, #tpu.memory_space<vmem>>, vector<16xf32>,
    %swap3A_297 = vector.shape_cast %swap3A_296 : vector<16xf32> to vector<16xf32>
    %swap3A_298 = vector.shape_cast %broadcast_in_dim3A_294 : vector<16xf32> to vector<16xf32>
    tpu.vector_store %arg15[%swap3A_295], %swap3A_298 {strides = array<i32>} : memref<1024xf32, #tpu.memory_space<vmem>>, vector<16xf32>,
    %slice3A_299 = vector.extract_strided_slice %get3A_40 {offsets = [5], sizes = [1], strides = [1]} : vector<16xf32> to vector<1xf32>
    %squeeze3A_300 = vector.extract %slice3A_299[0] : f32 from vector<1xf32>
    %broadcast_in_dim3A_301 = vector.broadcast %squeeze3A_300 : f32 to vector<16xf32>
    %swap3A_302 = arith.constant 592 : index
    %swap3A_303 = tpu.vector_load %arg15[%swap3A_302] {strides = array<i32>} : memref<1024xf32, #tpu.memory_space<vmem>>, vector<16xf32>,
    %swap3A_304 = vector.shape_cast %swap3A_303 : vector<16xf32> to vector<16xf32>
    %swap3A_305 = vector.shape_cast %broadcast_in_dim3A_301 : vector<16xf32> to vector<16xf32>
    tpu.vector_store %arg15[%swap3A_302], %swap3A_305 {strides = array<i32>} : memref<1024xf32, #tpu.memory_space<vmem>>, vector<16xf32>,
    %slice3A_306 = vector.extract_strided_slice %get3A_40 {offsets = [6], sizes = [1], strides = [1]} : vector<16xf32> to vector<1xf32>
    %squeeze3A_307 = vector.extract %slice3A_306[0] : f32 from vector<1xf32>
    %broadcast_in_dim3A_308 = vector.broadcast %squeeze3A_307 : f32 to vector<16xf32>
    %swap3A_309 = arith.constant 608 : index
    %swap3A_310 = tpu.vector_load %arg15[%swap3A_309] {strides = array<i32>} : memref<1024xf32, #tpu.memory_space<vmem>>, vector<16xf32>,
    %swap3A_311 = vector.shape_cast %swap3A_310 : vector<16xf32> to vector<16xf32>
    %swap3A_312 = vector.shape_cast %broadcast_in_dim3A_308 : vector<16xf32> to vector<16xf32>
    tpu.vector_store %arg15[%swap3A_309], %swap3A_312 {strides = array<i32>} : memref<1024xf32, #tpu.memory_space<vmem>>, vector<16xf32>,
    %slice3A_313 = vector.extract_strided_slice %get3A_40 {offsets = [7], sizes = [1], strides = [1]} : vector<16xf32> to vector<1xf32>
    %squeeze3A_314 = vector.extract %slice3A_313[0] : f32 from vector<1xf32>
    %broadcast_in_dim3A_315 = vector.broadcast %squeeze3A_314 : f32 to vector<16xf32>
    %swap3A_316 = arith.constant 624 : index
    %swap3A_317 = tpu.vector_load %arg15[%swap3A_316] {strides = array<i32>} : memref<1024xf32, #tpu.memory_space<vmem>>, vector<16xf32>,
    %swap3A_318 = vector.shape_cast %swap3A_317 : vector<16xf32> to vector<16xf32>
    %swap3A_319 = vector.shape_cast %broadcast_in_dim3A_315 : vector<16xf32> to vector<16xf32>
    tpu.vector_store %arg15[%swap3A_316], %swap3A_319 {strides = array<i32>} : memref<1024xf32, #tpu.memory_space<vmem>>, vector<16xf32>,
    %slice3A_320 = vector.extract_strided_slice %get3A_40 {offsets = [8], sizes = [1], strides = [1]} : vector<16xf32> to vector<1xf32>
    %squeeze3A_321 = vector.extract %slice3A_320[0] : f32 from vector<1xf32>
    %broadcast_in_dim3A_322 = vector.broadcast %squeeze3A_321 : f32 to vector<16xf32>
    %swap3A_323 = arith.constant 640 : index
    %swap3A_324 = tpu.vector_load %arg15[%swap3A_323] {strides = array<i32>} : memref<1024xf32, #tpu.memory_space<vmem>>, vector<16xf32>,
    %swap3A_325 = vector.shape_cast %swap3A_324 : vector<16xf32> to vector<16xf32>
    %swap3A_326 = vector.shape_cast %broadcast_in_dim3A_322 : vector<16xf32> to vector<16xf32>
    tpu.vector_store %arg15[%swap3A_323], %swap3A_326 {strides = array<i32>} : memref<1024xf32, #tpu.memory_space<vmem>>, vector<16xf32>,
    %slice3A_327 = vector.extract_strided_slice %get3A_40 {offsets = [9], sizes = [1], strides = [1]} : vector<16xf32> to vector<1xf32>
    %squeeze3A_328 = vector.extract %slice3A_327[0] : f32 from vector<1xf32>
    %broadcast_in_dim3A_329 = vector.broadcast %squeeze3A_328 : f32 to vector<16xf32>
    %swap3A_330 = arith.constant 656 : index
    %swap3A_331 = tpu.vector_load %arg15[%swap3A_330] {strides = array<i32>} : memref<1024xf32, #tpu.memory_space<vmem>>, vector<16xf32>,
    %swap3A_332 = vector.shape_cast %swap3A_331 : vector<16xf32> to vector<16xf32>
    %swap3A_333 = vector.shape_cast %broadcast_in_dim3A_329 : vector<16xf32> to vector<16xf32>
    tpu.vector_store %arg15[%swap3A_330], %swap3A_333 {strides = array<i32>} : memref<1024xf32, #tpu.memory_space<vmem>>, vector<16xf32>,
    %slice3A_334 = vector.extract_strided_slice %get3A_40 {offsets = [10], sizes = [1], strides = [1]} : vector<16xf32> to vector<1xf32>
    %squeeze3A_335 = vector.extract %slice3A_334[0] : f32 from vector<1xf32>
    %broadcast_in_dim3A_336 = vector.broadcast %squeeze3A_335 : f32 to vector<16xf32>
    %swap3A_337 = arith.constant 672 : index
    %swap3A_338 = tpu.vector_load %arg15[%swap3A_337] {strides = array<i32>} : memref<1024xf32, #tpu.memory_space<vmem>>, vector<16xf32>,
    %swap3A_339 = vector.shape_cast %swap3A_338 : vector<16xf32> to vector<16xf32>
    %swap3A_340 = vector.shape_cast %broadcast_in_dim3A_336 : vector<16xf32> to vector<16xf32>
    tpu.vector_store %arg15[%swap3A_337], %swap3A_340 {strides = array<i32>} : memref<1024xf32, #tpu.memory_space<vmem>>, vector<16xf32>,
    %slice3A_341 = vector.extract_strided_slice %get3A_40 {offsets = [11], sizes = [1], strides = [1]} : vector<16xf32> to vector<1xf32>
    %squeeze3A_342 = vector.extract %slice3A_341[0] : f32 from vector<1xf32>
    %broadcast_in_dim3A_343 = vector.broadcast %squeeze3A_342 : f32 to vector<16xf32>
    %swap3A_344 = arith.constant 688 : index
    %swap3A_345 = tpu.vector_load %arg15[%swap3A_344] {strides = array<i32>} : memref<1024xf32, #tpu.memory_space<vmem>>, vector<16xf32>,
    %swap3A_346 = vector.shape_cast %swap3A_345 : vector<16xf32> to vector<16xf32>
    %swap3A_347 = vector.shape_cast %broadcast_in_dim3A_343 : vector<16xf32> to vector<16xf32>
    tpu.vector_store %arg15[%swap3A_344], %swap3A_347 {strides = array<i32>} : memref<1024xf32, #tpu.memory_space<vmem>>, vector<16xf32>,
    %slice3A_348 = vector.extract_strided_slice %get3A_40 {offsets = [12], sizes = [1], strides = [1]} : vector<16xf32> to vector<1xf32>
    %squeeze3A_349 = vector.extract %slice3A_348[0] : f32 from vector<1xf32>
    %broadcast_in_dim3A_350 = vector.broadcast %squeeze3A_349 : f32 to vector<16xf32>
    %swap3A_351 = arith.constant 704 : index
    %swap3A_352 = tpu.vector_load %arg15[%swap3A_351] {strides = array<i32>} : memref<1024xf32, #tpu.memory_space<vmem>>, vector<16xf32>,
    %swap3A_353 = vector.shape_cast %swap3A_352 : vector<16xf32> to vector<16xf32>
    %swap3A_354 = vector.shape_cast %broadcast_in_dim3A_350 : vector<16xf32> to vector<16xf32>
    tpu.vector_store %arg15[%swap3A_351], %swap3A_354 {strides = array<i32>} : memref<1024xf32, #tpu.memory_space<vmem>>, vector<16xf32>,
    %slice3A_355 = vector.extract_strided_slice %get3A_40 {offsets = [13], sizes = [1], strides = [1]} : vector<16xf32> to vector<1xf32>
    %squeeze3A_356 = vector.extract %slice3A_355[0] : f32 from vector<1xf32>
    %broadcast_in_dim3A_357 = vector.broadcast %squeeze3A_356 : f32 to vector<16xf32>
    %swap3A_358 = arith.constant 720 : index
    %swap3A_359 = tpu.vector_load %arg15[%swap3A_358] {strides = array<i32>} : memref<1024xf32, #tpu.memory_space<vmem>>, vector<16xf32>,
    %swap3A_360 = vector.shape_cast %swap3A_359 : vector<16xf32> to vector<16xf32>
    %swap3A_361 = vector.shape_cast %broadcast_in_dim3A_357 : vector<16xf32> to vector<16xf32>
    tpu.vector_store %arg15[%swap3A_358], %swap3A_361 {strides = array<i32>} : memref<1024xf32, #tpu.memory_space<vmem>>, vector<16xf32>,
    %slice3A_362 = vector.extract_strided_slice %get3A_40 {offsets = [14], sizes = [1], strides = [1]} : vector<16xf32> to vector<1xf32>
    %squeeze3A_363 = vector.extract %slice3A_362[0] : f32 from vector<1xf32>
    %broadcast_in_dim3A_364 = vector.broadcast %squeeze3A_363 : f32 to vector<16xf32>
    %swap3A_365 = arith.constant 736 : index
    %swap3A_366 = tpu.vector_load %arg15[%swap3A_365] {strides = array<i32>} : memref<1024xf32, #tpu.memory_space<vmem>>, vector<16xf32>,
    %swap3A_367 = vector.shape_cast %swap3A_366 : vector<16xf32> to vector<16xf32>
    %swap3A_368 = vector.shape_cast %broadcast_in_dim3A_364 : vector<16xf32> to vector<16xf32>
    tpu.vector_store %arg15[%swap3A_365], %swap3A_368 {strides = array<i32>} : memref<1024xf32, #tpu.memory_space<vmem>>, vector<16xf32>,
    %slice3A_369 = vector.extract_strided_slice %get3A_40 {offsets = [15], sizes = [1], strides = [1]} : vector<16xf32> to vector<1xf32>
    %squeeze3A_370 = vector.extract %slice3A_369[0] : f32 from vector<1xf32>
    %broadcast_in_dim3A_371 = vector.broadcast %squeeze3A_370 : f32 to vector<16xf32>
    %swap3A_372 = arith.constant 752 : index
    %swap3A_373 = tpu.vector_load %arg15[%swap3A_372] {strides = array<i32>} : memref<1024xf32, #tpu.memory_space<vmem>>, vector<16xf32>,
    %swap3A_374 = vector.shape_cast %swap3A_373 : vector<16xf32> to vector<16xf32>
    %swap3A_375 = vector.shape_cast %broadcast_in_dim3A_371 : vector<16xf32> to vector<16xf32>
    tpu.vector_store %arg15[%swap3A_372], %swap3A_375 {strides = array<i32>} : memref<1024xf32, #tpu.memory_space<vmem>>, vector<16xf32>,
    %slice3A_376 = vector.extract_strided_slice %get3A_43 {offsets = [0], sizes = [1], strides = [1]} : vector<16xf32> to vector<1xf32>
    %squeeze3A_377 = vector.extract %slice3A_376[0] : f32 from vector<1xf32>
    %broadcast_in_dim3A_378 = vector.broadcast %squeeze3A_377 : f32 to vector<16xf32>
    %swap3A_379 = arith.constant 768 : index
    %swap3A_380 = tpu.vector_load %arg15[%swap3A_379] {strides = array<i32>} : memref<1024xf32, #tpu.memory_space<vmem>>, vector<16xf32>,
    %swap3A_381 = vector.shape_cast %swap3A_380 : vector<16xf32> to vector<16xf32>
    %swap3A_382 = vector.shape_cast %broadcast_in_dim3A_378 : vector<16xf32> to vector<16xf32>
    tpu.vector_store %arg15[%swap3A_379], %swap3A_382 {strides = array<i32>} : memref<1024xf32, #tpu.memory_space<vmem>>, vector<16xf32>,
    %slice3A_383 = vector.extract_strided_slice %get3A_43 {offsets = [1], sizes = [1], strides = [1]} : vector<16xf32> to vector<1xf32>
    %squeeze3A_384 = vector.extract %slice3A_383[0] : f32 from vector<1xf32>
    %broadcast_in_dim3A_385 = vector.broadcast %squeeze3A_384 : f32 to vector<16xf32>
    %swap3A_386 = arith.constant 784 : index
    %swap3A_387 = tpu.vector_load %arg15[%swap3A_386] {strides = array<i32>} : memref<1024xf32, #tpu.memory_space<vmem>>, vector<16xf32>,
    %swap3A_388 = vector.shape_cast %swap3A_387 : vector<16xf32> to vector<16xf32>
    %swap3A_389 = vector.shape_cast %broadcast_in_dim3A_385 : vector<16xf32> to vector<16xf32>
    tpu.vector_store %arg15[%swap3A_386], %swap3A_389 {strides = array<i32>} : memref<1024xf32, #tpu.memory_space<vmem>>, vector<16xf32>,
    %slice3A_390 = vector.extract_strided_slice %get3A_43 {offsets = [2], sizes = [1], strides = [1]} : vector<16xf32> to vector<1xf32>
    %squeeze3A_391 = vector.extract %slice3A_390[0] : f32 from vector<1xf32>
    %broadcast_in_dim3A_392 = vector.broadcast %squeeze3A_391 : f32 to vector<16xf32>
    %swap3A_393 = arith.constant 800 : index
    %swap3A_394 = tpu.vector_load %arg15[%swap3A_393] {strides = array<i32>} : memref<1024xf32, #tpu.memory_space<vmem>>, vector<16xf32>,
    %swap3A_395 = vector.shape_cast %swap3A_394 : vector<16xf32> to vector<16xf32>
    %swap3A_396 = vector.shape_cast %broadcast_in_dim3A_392 : vector<16xf32> to vector<16xf32>
    tpu.vector_store %arg15[%swap3A_393], %swap3A_396 {strides = array<i32>} : memref<1024xf32, #tpu.memory_space<vmem>>, vector<16xf32>,
    %slice3A_397 = vector.extract_strided_slice %get3A_43 {offsets = [3], sizes = [1], strides = [1]} : vector<16xf32> to vector<1xf32>
    %squeeze3A_398 = vector.extract %slice3A_397[0] : f32 from vector<1xf32>
    %broadcast_in_dim3A_399 = vector.broadcast %squeeze3A_398 : f32 to vector<16xf32>
    %swap3A_400 = arith.constant 816 : index
    %swap3A_401 = tpu.vector_load %arg15[%swap3A_400] {strides = array<i32>} : memref<1024xf32, #tpu.memory_space<vmem>>, vector<16xf32>,
    %swap3A_402 = vector.shape_cast %swap3A_401 : vector<16xf32> to vector<16xf32>
    %swap3A_403 = vector.shape_cast %broadcast_in_dim3A_399 : vector<16xf32> to vector<16xf32>
    tpu.vector_store %arg15[%swap3A_400], %swap3A_403 {strides = array<i32>} : memref<1024xf32, #tpu.memory_space<vmem>>, vector<16xf32>,
    %slice3A_404 = vector.extract_strided_slice %get3A_43 {offsets = [4], sizes = [1], strides = [1]} : vector<16xf32> to vector<1xf32>
    %squeeze3A_405 = vector.extract %slice3A_404[0] : f32 from vector<1xf32>
    %broadcast_in_dim3A_406 = vector.broadcast %squeeze3A_405 : f32 to vector<16xf32>
    %swap3A_407 = arith.constant 832 : index
    %swap3A_408 = tpu.vector_load %arg15[%swap3A_407] {strides = array<i32>} : memref<1024xf32, #tpu.memory_space<vmem>>, vector<16xf32>,
    %swap3A_409 = vector.shape_cast %swap3A_408 : vector<16xf32> to vector<16xf32>
    %swap3A_410 = vector.shape_cast %broadcast_in_dim3A_406 : vector<16xf32> to vector<16xf32>
    tpu.vector_store %arg15[%swap3A_407], %swap3A_410 {strides = array<i32>} : memref<1024xf32, #tpu.memory_space<vmem>>, vector<16xf32>,
    %slice3A_411 = vector.extract_strided_slice %get3A_43 {offsets = [5], sizes = [1], strides = [1]} : vector<16xf32> to vector<1xf32>
    %squeeze3A_412 = vector.extract %slice3A_411[0] : f32 from vector<1xf32>
    %broadcast_in_dim3A_413 = vector.broadcast %squeeze3A_412 : f32 to vector<16xf32>
    %swap3A_414 = arith.constant 848 : index
    %swap3A_415 = tpu.vector_load %arg15[%swap3A_414] {strides = array<i32>} : memref<1024xf32, #tpu.memory_space<vmem>>, vector<16xf32>,
    %swap3A_416 = vector.shape_cast %swap3A_415 : vector<16xf32> to vector<16xf32>
    %swap3A_417 = vector.shape_cast %broadcast_in_dim3A_413 : vector<16xf32> to vector<16xf32>
    tpu.vector_store %arg15[%swap3A_414], %swap3A_417 {strides = array<i32>} : memref<1024xf32, #tpu.memory_space<vmem>>, vector<16xf32>,
    %slice3A_418 = vector.extract_strided_slice %get3A_43 {offsets = [6], sizes = [1], strides = [1]} : vector<16xf32> to vector<1xf32>
    %squeeze3A_419 = vector.extract %slice3A_418[0] : f32 from vector<1xf32>
    %broadcast_in_dim3A_420 = vector.broadcast %squeeze3A_419 : f32 to vector<16xf32>
    %swap3A_421 = arith.constant 864 : index
    %swap3A_422 = tpu.vector_load %arg15[%swap3A_421] {strides = array<i32>} : memref<1024xf32, #tpu.memory_space<vmem>>, vector<16xf32>,
    %swap3A_423 = vector.shape_cast %swap3A_422 : vector<16xf32> to vector<16xf32>
    %swap3A_424 = vector.shape_cast %broadcast_in_dim3A_420 : vector<16xf32> to vector<16xf32>
    tpu.vector_store %arg15[%swap3A_421], %swap3A_424 {strides = array<i32>} : memref<1024xf32, #tpu.memory_space<vmem>>, vector<16xf32>,
    %slice3A_425 = vector.extract_strided_slice %get3A_43 {offsets = [7], sizes = [1], strides = [1]} : vector<16xf32> to vector<1xf32>
    %squeeze3A_426 = vector.extract %slice3A_425[0] : f32 from vector<1xf32>
    %broadcast_in_dim3A_427 = vector.broadcast %squeeze3A_426 : f32 to vector<16xf32>
    %swap3A_428 = arith.constant 880 : index
    %swap3A_429 = tpu.vector_load %arg15[%swap3A_428] {strides = array<i32>} : memref<1024xf32, #tpu.memory_space<vmem>>, vector<16xf32>,
    %swap3A_430 = vector.shape_cast %swap3A_429 : vector<16xf32> to vector<16xf32>
    %swap3A_431 = vector.shape_cast %broadcast_in_dim3A_427 : vector<16xf32> to vector<16xf32>
    tpu.vector_store %arg15[%swap3A_428], %swap3A_431 {strides = array<i32>} : memref<1024xf32, #tpu.memory_space<vmem>>, vector<16xf32>,
    %slice3A_432 = vector.extract_strided_slice %get3A_43 {offsets = [8], sizes = [1], strides = [1]} : vector<16xf32> to vector<1xf32>
    %squeeze3A_433 = vector.extract %slice3A_432[0] : f32 from vector<1xf32>
    %broadcast_in_dim3A_434 = vector.broadcast %squeeze3A_433 : f32 to vector<16xf32>
    %swap3A_435 = arith.constant 896 : index
    %swap3A_436 = tpu.vector_load %arg15[%swap3A_435] {strides = array<i32>} : memref<1024xf32, #tpu.memory_space<vmem>>, vector<16xf32>,
    %swap3A_437 = vector.shape_cast %swap3A_436 : vector<16xf32> to vector<16xf32>
    %swap3A_438 = vector.shape_cast %broadcast_in_dim3A_434 : vector<16xf32> to vector<16xf32>
    tpu.vector_store %arg15[%swap3A_435], %swap3A_438 {strides = array<i32>} : memref<1024xf32, #tpu.memory_space<vmem>>, vector<16xf32>,
    %slice3A_439 = vector.extract_strided_slice %get3A_43 {offsets = [9], sizes = [1], strides = [1]} : vector<16xf32> to vector<1xf32>
    %squeeze3A_440 = vector.extract %slice3A_439[0] : f32 from vector<1xf32>
    %broadcast_in_dim3A_441 = vector.broadcast %squeeze3A_440 : f32 to vector<16xf32>
    %swap3A_442 = arith.constant 912 : index
    %swap3A_443 = tpu.vector_load %arg15[%swap3A_442] {strides = array<i32>} : memref<1024xf32, #tpu.memory_space<vmem>>, vector<16xf32>,
    %swap3A_444 = vector.shape_cast %swap3A_443 : vector<16xf32> to vector<16xf32>
    %swap3A_445 = vector.shape_cast %broadcast_in_dim3A_441 : vector<16xf32> to vector<16xf32>
    tpu.vector_store %arg15[%swap3A_442], %swap3A_445 {strides = array<i32>} : memref<1024xf32, #tpu.memory_space<vmem>>, vector<16xf32>,
    %slice3A_446 = vector.extract_strided_slice %get3A_43 {offsets = [10], sizes = [1], strides = [1]} : vector<16xf32> to vector<1xf32>
    %squeeze3A_447 = vector.extract %slice3A_446[0] : f32 from vector<1xf32>
    %broadcast_in_dim3A_448 = vector.broadcast %squeeze3A_447 : f32 to vector<16xf32>
    %swap3A_449 = arith.constant 928 : index
    %swap3A_450 = tpu.vector_load %arg15[%swap3A_449] {strides = array<i32>} : memref<1024xf32, #tpu.memory_space<vmem>>, vector<16xf32>,
    %swap3A_451 = vector.shape_cast %swap3A_450 : vector<16xf32> to vector<16xf32>
    %swap3A_452 = vector.shape_cast %broadcast_in_dim3A_448 : vector<16xf32> to vector<16xf32>
    tpu.vector_store %arg15[%swap3A_449], %swap3A_452 {strides = array<i32>} : memref<1024xf32, #tpu.memory_space<vmem>>, vector<16xf32>,
    %slice3A_453 = vector.extract_strided_slice %get3A_43 {offsets = [11], sizes = [1], strides = [1]} : vector<16xf32> to vector<1xf32>
    %squeeze3A_454 = vector.extract %slice3A_453[0] : f32 from vector<1xf32>
    %broadcast_in_dim3A_455 = vector.broadcast %squeeze3A_454 : f32 to vector<16xf32>
    %swap3A_456 = arith.constant 944 : index
    %swap3A_457 = tpu.vector_load %arg15[%swap3A_456] {strides = array<i32>} : memref<1024xf32, #tpu.memory_space<vmem>>, vector<16xf32>,
    %swap3A_458 = vector.shape_cast %swap3A_457 : vector<16xf32> to vector<16xf32>
    %swap3A_459 = vector.shape_cast %broadcast_in_dim3A_455 : vector<16xf32> to vector<16xf32>
    tpu.vector_store %arg15[%swap3A_456], %swap3A_459 {strides = array<i32>} : memref<1024xf32, #tpu.memory_space<vmem>>, vector<16xf32>,
    %slice3A_460 = vector.extract_strided_slice %get3A_43 {offsets = [12], sizes = [1], strides = [1]} : vector<16xf32> to vector<1xf32>
    %squeeze3A_461 = vector.extract %slice3A_460[0] : f32 from vector<1xf32>
    %broadcast_in_dim3A_462 = vector.broadcast %squeeze3A_461 : f32 to vector<16xf32>
    %swap3A_463 = arith.constant 960 : index
    %swap3A_464 = tpu.vector_load %arg15[%swap3A_463] {strides = array<i32>} : memref<1024xf32, #tpu.memory_space<vmem>>, vector<16xf32>,
    %swap3A_465 = vector.shape_cast %swap3A_464 : vector<16xf32> to vector<16xf32>
    %swap3A_466 = vector.shape_cast %broadcast_in_dim3A_462 : vector<16xf32> to vector<16xf32>
    tpu.vector_store %arg15[%swap3A_463], %swap3A_466 {strides = array<i32>} : memref<1024xf32, #tpu.memory_space<vmem>>, vector<16xf32>,
    %slice3A_467 = vector.extract_strided_slice %get3A_43 {offsets = [13], sizes = [1], strides = [1]} : vector<16xf32> to vector<1xf32>
    %squeeze3A_468 = vector.extract %slice3A_467[0] : f32 from vector<1xf32>
    %broadcast_in_dim3A_469 = vector.broadcast %squeeze3A_468 : f32 to vector<16xf32>
    %swap3A_470 = arith.constant 976 : index
    %swap3A_471 = tpu.vector_load %arg15[%swap3A_470] {strides = array<i32>} : memref<1024xf32, #tpu.memory_space<vmem>>, vector<16xf32>,
    %swap3A_472 = vector.shape_cast %swap3A_471 : vector<16xf32> to vector<16xf32>
    %swap3A_473 = vector.shape_cast %broadcast_in_dim3A_469 : vector<16xf32> to vector<16xf32>
    tpu.vector_store %arg15[%swap3A_470], %swap3A_473 {strides = array<i32>} : memref<1024xf32, #tpu.memory_space<vmem>>, vector<16xf32>,
    %slice3A_474 = vector.extract_strided_slice %get3A_43 {offsets = [14], sizes = [1], strides = [1]} : vector<16xf32> to vector<1xf32>
    %squeeze3A_475 = vector.extract %slice3A_474[0] : f32 from vector<1xf32>
    %broadcast_in_dim3A_476 = vector.broadcast %squeeze3A_475 : f32 to vector<16xf32>
    %swap3A_477 = arith.constant 992 : index
    %swap3A_478 = tpu.vector_load %arg15[%swap3A_477] {strides = array<i32>} : memref<1024xf32, #tpu.memory_space<vmem>>, vector<16xf32>,
    %swap3A_479 = vector.shape_cast %swap3A_478 : vector<16xf32> to vector<16xf32>
    %swap3A_480 = vector.shape_cast %broadcast_in_dim3A_476 : vector<16xf32> to vector<16xf32>
    tpu.vector_store %arg15[%swap3A_477], %swap3A_480 {strides = array<i32>} : memref<1024xf32, #tpu.memory_space<vmem>>, vector<16xf32>,
    %slice3A_481 = vector.extract_strided_slice %get3A_43 {offsets = [15], sizes = [1], strides = [1]} : vector<16xf32> to vector<1xf32>
    %squeeze3A_482 = vector.extract %slice3A_481[0] : f32 from vector<1xf32>
    %broadcast_in_dim3A_483 = vector.broadcast %squeeze3A_482 : f32 to vector<16xf32>
    %swap3A_484 = arith.constant 1008 : index
    %swap3A_485 = tpu.vector_load %arg15[%swap3A_484] {strides = array<i32>} : memref<1024xf32, #tpu.memory_space<vmem>>, vector<16xf32>,
    %swap3A_486 = vector.shape_cast %swap3A_485 : vector<16xf32> to vector<16xf32>
    %swap3A_487 = vector.shape_cast %broadcast_in_dim3A_483 : vector<16xf32> to vector<16xf32>
    tpu.vector_store %arg15[%swap3A_484], %swap3A_487 {strides = array<i32>} : memref<1024xf32, #tpu.memory_space<vmem>>, vector<16xf32>,
    %get3A_488 = arith.constant 64 : index
    %get3A_489 = tpu.vector_load %arg14[%get3A_488] {strides = array<i32>} : memref<80xf32, #tpu.memory_space<vmem>>, vector<16xf32>,
    %get3A_490 = vector.shape_cast %get3A_489 : vector<16xf32> to vector<16xf32>
    %dma_wait3A_491 = arith.constant 0 : i32
    %dma_wait3A_492 = arith.constant 0 : i32
    %dma_wait3A_493 = tpu.memref_slice %arg13[%dma_wait3A_491, %dma_wait3A_492] : memref<64x512xf32, #tpu.memory_space<vmem>> -> memref<32x512xf32, #tpu.memory_space<vmem>>
    %dma_wait3A_494 = arith.constant 0 : i32
    %dma_wait3A_495 = tpu.memref_slice %arg2[%dma_wait3A_494, %mul3A_2] : memref<64x16384xf32, #tpu.memory_space<hbm>> -> memref<32x512xf32, #tpu.memory_space<hbm>>
    %dma_wait3A_496 = arith.constant 0 : i32
    %dma_wait3A_497 = arith.constant 0 : i32
    %dma_wait3A_498 = tpu.memref_slice %arg13[%dma_wait3A_496, %dma_wait3A_497] : memref<64x512xf32, #tpu.memory_space<vmem>> -> memref<32x512xf32, #tpu.memory_space<vmem>>
    %dma_wait3A_499 = arith.constant 0 : i32
    %dma_wait3A_500 = tpu.memref_slice %arg2[%dma_wait3A_499, %mul3A_2] : memref<64x16384xf32, #tpu.memory_space<hbm>> -> memref<32x512xf32, #tpu.memory_space<hbm>>
    tpu.wait_dma2 semaphore(%arg18 : memref<!tpu.dma_semaphore, #tpu.memory_space<semaphore_mem>>) src(%dma_wait3A_500 : memref<32x512xf32, #tpu.memory_space<hbm>>) dst(%dma_wait3A_498 : memref<32x512xf32, #tpu.memory_space<vmem>>)
    %dma_wait3A_501 = arith.constant 32 : i32
    %dma_wait3A_502 = arith.constant 0 : i32
    %dma_wait3A_503 = tpu.memref_slice %arg13[%dma_wait3A_501, %dma_wait3A_502] : memref<64x512xf32, #tpu.memory_space<vmem>> -> memref<32x512xf32, #tpu.memory_space<vmem>>
    %dma_wait3A_504 = arith.constant 32 : i32
    %dma_wait3A_505 = tpu.memref_slice %arg2[%dma_wait3A_504, %mul3A_2] : memref<64x16384xf32, #tpu.memory_space<hbm>> -> memref<32x512xf32, #tpu.memory_space<hbm>>
    %dma_wait3A_506 = arith.constant 32 : i32
    %dma_wait3A_507 = arith.constant 0 : i32
    %dma_wait3A_508 = tpu.memref_slice %arg13[%dma_wait3A_506, %dma_wait3A_507] : memref<64x512xf32, #tpu.memory_space<vmem>> -> memref<32x512xf32, #tpu.memory_space<vmem>>
    %dma_wait3A_509 = arith.constant 32 : i32
    %dma_wait3A_510 = tpu.memref_slice %arg2[%dma_wait3A_509, %mul3A_2] : memref<64x16384xf32, #tpu.memory_space<hbm>> -> memref<32x512xf32, #tpu.memory_space<hbm>>
    tpu.wait_dma2 semaphore(%arg19 : memref<!tpu.dma_semaphore, #tpu.memory_space<semaphore_mem>>) src(%dma_wait3A_510 : memref<32x512xf32, #tpu.memory_space<hbm>>) dst(%dma_wait3A_508 : memref<32x512xf32, #tpu.memory_space<vmem>>)
    %scan3A = arith.constant 0 : i32
    %scan3A_511 = arith.constant 64 : i32
    %scan3A_512 = arith.addi %scan3A, %scan3A_511 : i32
    %scan3A_513 = arith.constant 1 : i32
    %scan3A_514:32 = scf.for %scan3A_904 = %scan3A to %scan3A_512 step %scan3A_513 iter_args(%scan3A_905 = %get3A_490, %scan3A_906 = %get3A_490, %scan3A_907 = %get3A_490, %scan3A_908 = %get3A_490, %scan3A_909 = %get3A_490, %scan3A_910 = %get3A_490, %scan3A_911 = %get3A_490, %scan3A_912 = %get3A_490, %scan3A_913 = %get3A_490, %scan3A_914 = %get3A_490, %scan3A_915 = %get3A_490, %scan3A_916 = %get3A_490, %scan3A_917 = %get3A_490, %scan3A_918 = %get3A_490, %scan3A_919 = %get3A_490, %scan3A_920 = %get3A_490, %scan3A_921 = %get3A_490, %scan3A_922 = %get3A_490, %scan3A_923 = %get3A_490, %scan3A_924 = %get3A_490, %scan3A_925 = %get3A_490, %scan3A_926 = %get3A_490, %scan3A_927 = %get3A_490, %scan3A_928 = %get3A_490, %scan3A_929 = %get3A_490, %scan3A_930 = %get3A_490, %scan3A_931 = %get3A_490, %scan3A_932 = %get3A_490, %scan3A_933 = %get3A_490, %scan3A_934 = %get3A_490, %scan3A_935 = %get3A_490, %scan3A_936 = %get3A_490) -> (vector<16xf32>, vector<16xf32>, vector<16xf32>, vector<16xf32>, vector<16xf32>, vector<16xf32>, vector<16xf32>, vector<16xf32>, vector<16xf32>, vector<16xf32>, vector<16xf32>, vector<16xf32>, vector<16xf32>, vector<16xf32>, vector<16xf32>, vector<16xf32>, vector<16xf32>, vector<16xf32>, vector<16xf32>, vector<16xf32>, vector<16xf32>, vector<16xf32>, vector<16xf32>, vector<16xf32>, vector<16xf32>, vector<16xf32>, vector<16xf32>, vector<16xf32>, vector<16xf32>, vector<16xf32>, vector<16xf32>, vector<16xf32>)  : i32 {
      %mul3A_937 = arith.constant 16 : i32
      %mul3A_938 = arith.muli %scan3A_904, %mul3A_937 : i32
      %get3A_939 = arith.index_cast %mul3A_938 : i32 to index
      %get3A_940 = tpu.vector_load %arg15[%get3A_939] {strides = array<i32>} : memref<1024xf32, #tpu.memory_space<vmem>>, vector<16xf32>,
      %get3A_941 = vector.shape_cast %get3A_940 : vector<16xf32> to vector<16xf32>
      %get3A_942 = arith.index_cast %scan3A_904 : i32 to index
      %get3A_943 = arith.constant 0 : index
      %get3A_944 = tpu.vector_load %arg13[%get3A_942, %get3A_943] {strides = array<i32>} : memref<64x512xf32, #tpu.memory_space<vmem>>, vector<1x16xf32>,
      %get3A_945 = vector.shape_cast %get3A_944 : vector<1x16xf32> to vector<16xf32>
      %mul3A_946 = arith.mulf %get3A_945, %get3A_941 : vector<16xf32>
      %add3A_947 = arith.addf %scan3A_905, %mul3A_946 : vector<16xf32>
      %get3A_948 = arith.index_cast %scan3A_904 : i32 to index
      %get3A_949 = arith.constant 16 : index
      %get3A_950 = tpu.vector_load %arg13[%get3A_948, %get3A_949] {strides = array<i32>} : memref<64x512xf32, #tpu.memory_space<vmem>>, vector<1x16xf32>,
      %get3A_951 = vector.shape_cast %get3A_950 : vector<1x16xf32> to vector<16xf32>
      %mul3A_952 = arith.mulf %get3A_951, %get3A_941 : vector<16xf32>
      %add3A_953 = arith.addf %scan3A_906, %mul3A_952 : vector<16xf32>
      %get3A_954 = arith.index_cast %scan3A_904 : i32 to index
      %get3A_955 = arith.constant 32 : index
      %get3A_956 = tpu.vector_load %arg13[%get3A_954, %get3A_955] {strides = array<i32>} : memref<64x512xf32, #tpu.memory_space<vmem>>, vector<1x16xf32>,
      %get3A_957 = vector.shape_cast %get3A_956 : vector<1x16xf32> to vector<16xf32>
      %mul3A_958 = arith.mulf %get3A_957, %get3A_941 : vector<16xf32>
      %add3A_959 = arith.addf %scan3A_907, %mul3A_958 : vector<16xf32>
      %get3A_960 = arith.index_cast %scan3A_904 : i32 to index
      %get3A_961 = arith.constant 48 : index
      %get3A_962 = tpu.vector_load %arg13[%get3A_960, %get3A_961] {strides = array<i32>} : memref<64x512xf32, #tpu.memory_space<vmem>>, vector<1x16xf32>,
      %get3A_963 = vector.shape_cast %get3A_962 : vector<1x16xf32> to vector<16xf32>
      %mul3A_964 = arith.mulf %get3A_963, %get3A_941 : vector<16xf32>
      %add3A_965 = arith.addf %scan3A_908, %mul3A_964 : vector<16xf32>
      %get3A_966 = arith.index_cast %scan3A_904 : i32 to index
      %get3A_967 = arith.constant 64 : index
      %get3A_968 = tpu.vector_load %arg13[%get3A_966, %get3A_967] {strides = array<i32>} : memref<64x512xf32, #tpu.memory_space<vmem>>, vector<1x16xf32>,
      %get3A_969 = vector.shape_cast %get3A_968 : vector<1x16xf32> to vector<16xf32>
      %mul3A_970 = arith.mulf %get3A_969, %get3A_941 : vector<16xf32>
      %add3A_971 = arith.addf %scan3A_909, %mul3A_970 : vector<16xf32>
      %get3A_972 = arith.index_cast %scan3A_904 : i32 to index
      %get3A_973 = arith.constant 80 : index
      %get3A_974 = tpu.vector_load %arg13[%get3A_972, %get3A_973] {strides = array<i32>} : memref<64x512xf32, #tpu.memory_space<vmem>>, vector<1x16xf32>,
      %get3A_975 = vector.shape_cast %get3A_974 : vector<1x16xf32> to vector<16xf32>
      %mul3A_976 = arith.mulf %get3A_975, %get3A_941 : vector<16xf32>
      %add3A_977 = arith.addf %scan3A_910, %mul3A_976 : vector<16xf32>
      %get3A_978 = arith.index_cast %scan3A_904 : i32 to index
      %get3A_979 = arith.constant 96 : index
      %get3A_980 = tpu.vector_load %arg13[%get3A_978, %get3A_979] {strides = array<i32>} : memref<64x512xf32, #tpu.memory_space<vmem>>, vector<1x16xf32>,
      %get3A_981 = vector.shape_cast %get3A_980 : vector<1x16xf32> to vector<16xf32>
      %mul3A_982 = arith.mulf %get3A_981, %get3A_941 : vector<16xf32>
      %add3A_983 = arith.addf %scan3A_911, %mul3A_982 : vector<16xf32>
      %get3A_984 = arith.index_cast %scan3A_904 : i32 to index
      %get3A_985 = arith.constant 112 : index
      %get3A_986 = tpu.vector_load %arg13[%get3A_984, %get3A_985] {strides = array<i32>} : memref<64x512xf32, #tpu.memory_space<vmem>>, vector<1x16xf32>,
      %get3A_987 = vector.shape_cast %get3A_986 : vector<1x16xf32> to vector<16xf32>
      %mul3A_988 = arith.mulf %get3A_987, %get3A_941 : vector<16xf32>
      %add3A_989 = arith.addf %scan3A_912, %mul3A_988 : vector<16xf32>
      %get3A_990 = arith.index_cast %scan3A_904 : i32 to index
      %get3A_991 = arith.constant 128 : index
      %get3A_992 = tpu.vector_load %arg13[%get3A_990, %get3A_991] {strides = array<i32>} : memref<64x512xf32, #tpu.memory_space<vmem>>, vector<1x16xf32>,
      %get3A_993 = vector.shape_cast %get3A_992 : vector<1x16xf32> to vector<16xf32>
      %mul3A_994 = arith.mulf %get3A_993, %get3A_941 : vector<16xf32>
      %add3A_995 = arith.addf %scan3A_913, %mul3A_994 : vector<16xf32>
      %get3A_996 = arith.index_cast %scan3A_904 : i32 to index
      %get3A_997 = arith.constant 144 : index
      %get3A_998 = tpu.vector_load %arg13[%get3A_996, %get3A_997] {strides = array<i32>} : memref<64x512xf32, #tpu.memory_space<vmem>>, vector<1x16xf32>,
      %get3A_999 = vector.shape_cast %get3A_998 : vector<1x16xf32> to vector<16xf32>
      %mul3A_1000 = arith.mulf %get3A_999, %get3A_941 : vector<16xf32>
      %add3A_1001 = arith.addf %scan3A_914, %mul3A_1000 : vector<16xf32>
      %get3A_1002 = arith.index_cast %scan3A_904 : i32 to index
      %get3A_1003 = arith.constant 160 : index
      %get3A_1004 = tpu.vector_load %arg13[%get3A_1002, %get3A_1003] {strides = array<i32>} : memref<64x512xf32, #tpu.memory_space<vmem>>, vector<1x16xf32>,
      %get3A_1005 = vector.shape_cast %get3A_1004 : vector<1x16xf32> to vector<16xf32>
      %mul3A_1006 = arith.mulf %get3A_1005, %get3A_941 : vector<16xf32>
      %add3A_1007 = arith.addf %scan3A_915, %mul3A_1006 : vector<16xf32>
      %get3A_1008 = arith.index_cast %scan3A_904 : i32 to index
      %get3A_1009 = arith.constant 176 : index
      %get3A_1010 = tpu.vector_load %arg13[%get3A_1008, %get3A_1009] {strides = array<i32>} : memref<64x512xf32, #tpu.memory_space<vmem>>, vector<1x16xf32>,
      %get3A_1011 = vector.shape_cast %get3A_1010 : vector<1x16xf32> to vector<16xf32>
      %mul3A_1012 = arith.mulf %get3A_1011, %get3A_941 : vector<16xf32>
      %add3A_1013 = arith.addf %scan3A_916, %mul3A_1012 : vector<16xf32>
      %get3A_1014 = arith.index_cast %scan3A_904 : i32 to index
      %get3A_1015 = arith.constant 192 : index
      %get3A_1016 = tpu.vector_load %arg13[%get3A_1014, %get3A_1015] {strides = array<i32>} : memref<64x512xf32, #tpu.memory_space<vmem>>, vector<1x16xf32>,
      %get3A_1017 = vector.shape_cast %get3A_1016 : vector<1x16xf32> to vector<16xf32>
      %mul3A_1018 = arith.mulf %get3A_1017, %get3A_941 : vector<16xf32>
      %add3A_1019 = arith.addf %scan3A_917, %mul3A_1018 : vector<16xf32>
      %get3A_1020 = arith.index_cast %scan3A_904 : i32 to index
      %get3A_1021 = arith.constant 208 : index
      %get3A_1022 = tpu.vector_load %arg13[%get3A_1020, %get3A_1021] {strides = array<i32>} : memref<64x512xf32, #tpu.memory_space<vmem>>, vector<1x16xf32>,
      %get3A_1023 = vector.shape_cast %get3A_1022 : vector<1x16xf32> to vector<16xf32>
      %mul3A_1024 = arith.mulf %get3A_1023, %get3A_941 : vector<16xf32>
      %add3A_1025 = arith.addf %scan3A_918, %mul3A_1024 : vector<16xf32>
      %get3A_1026 = arith.index_cast %scan3A_904 : i32 to index
      %get3A_1027 = arith.constant 224 : index
      %get3A_1028 = tpu.vector_load %arg13[%get3A_1026, %get3A_1027] {strides = array<i32>} : memref<64x512xf32, #tpu.memory_space<vmem>>, vector<1x16xf32>,
      %get3A_1029 = vector.shape_cast %get3A_1028 : vector<1x16xf32> to vector<16xf32>
      %mul3A_1030 = arith.mulf %get3A_1029, %get3A_941 : vector<16xf32>
      %add3A_1031 = arith.addf %scan3A_919, %mul3A_1030 : vector<16xf32>
      %get3A_1032 = arith.index_cast %scan3A_904 : i32 to index
      %get3A_1033 = arith.constant 240 : index
      %get3A_1034 = tpu.vector_load %arg13[%get3A_1032, %get3A_1033] {strides = array<i32>} : memref<64x512xf32, #tpu.memory_space<vmem>>, vector<1x16xf32>,
      %get3A_1035 = vector.shape_cast %get3A_1034 : vector<1x16xf32> to vector<16xf32>
      %mul3A_1036 = arith.mulf %get3A_1035, %get3A_941 : vector<16xf32>
      %add3A_1037 = arith.addf %scan3A_920, %mul3A_1036 : vector<16xf32>
      %get3A_1038 = arith.index_cast %scan3A_904 : i32 to index
      %get3A_1039 = arith.constant 256 : index
      %get3A_1040 = tpu.vector_load %arg13[%get3A_1038, %get3A_1039] {strides = array<i32>} : memref<64x512xf32, #tpu.memory_space<vmem>>, vector<1x16xf32>,
      %get3A_1041 = vector.shape_cast %get3A_1040 : vector<1x16xf32> to vector<16xf32>
      %mul3A_1042 = arith.mulf %get3A_1041, %get3A_941 : vector<16xf32>
      %add3A_1043 = arith.addf %scan3A_921, %mul3A_1042 : vector<16xf32>
      %get3A_1044 = arith.index_cast %scan3A_904 : i32 to index
      %get3A_1045 = arith.constant 272 : index
      %get3A_1046 = tpu.vector_load %arg13[%get3A_1044, %get3A_1045] {strides = array<i32>} : memref<64x512xf32, #tpu.memory_space<vmem>>, vector<1x16xf32>,
      %get3A_1047 = vector.shape_cast %get3A_1046 : vector<1x16xf32> to vector<16xf32>
      %mul3A_1048 = arith.mulf %get3A_1047, %get3A_941 : vector<16xf32>
      %add3A_1049 = arith.addf %scan3A_922, %mul3A_1048 : vector<16xf32>
      %get3A_1050 = arith.index_cast %scan3A_904 : i32 to index
      %get3A_1051 = arith.constant 288 : index
      %get3A_1052 = tpu.vector_load %arg13[%get3A_1050, %get3A_1051] {strides = array<i32>} : memref<64x512xf32, #tpu.memory_space<vmem>>, vector<1x16xf32>,
      %get3A_1053 = vector.shape_cast %get3A_1052 : vector<1x16xf32> to vector<16xf32>
      %mul3A_1054 = arith.mulf %get3A_1053, %get3A_941 : vector<16xf32>
      %add3A_1055 = arith.addf %scan3A_923, %mul3A_1054 : vector<16xf32>
      %get3A_1056 = arith.index_cast %scan3A_904 : i32 to index
      %get3A_1057 = arith.constant 304 : index
      %get3A_1058 = tpu.vector_load %arg13[%get3A_1056, %get3A_1057] {strides = array<i32>} : memref<64x512xf32, #tpu.memory_space<vmem>>, vector<1x16xf32>,
      %get3A_1059 = vector.shape_cast %get3A_1058 : vector<1x16xf32> to vector<16xf32>
      %mul3A_1060 = arith.mulf %get3A_1059, %get3A_941 : vector<16xf32>
      %add3A_1061 = arith.addf %scan3A_924, %mul3A_1060 : vector<16xf32>
      %get3A_1062 = arith.index_cast %scan3A_904 : i32 to index
      %get3A_1063 = arith.constant 320 : index
      %get3A_1064 = tpu.vector_load %arg13[%get3A_1062, %get3A_1063] {strides = array<i32>} : memref<64x512xf32, #tpu.memory_space<vmem>>, vector<1x16xf32>,
      %get3A_1065 = vector.shape_cast %get3A_1064 : vector<1x16xf32> to vector<16xf32>
      %mul3A_1066 = arith.mulf %get3A_1065, %get3A_941 : vector<16xf32>
      %add3A_1067 = arith.addf %scan3A_925, %mul3A_1066 : vector<16xf32>
      %get3A_1068 = arith.index_cast %scan3A_904 : i32 to index
      %get3A_1069 = arith.constant 336 : index
      %get3A_1070 = tpu.vector_load %arg13[%get3A_1068, %get3A_1069] {strides = array<i32>} : memref<64x512xf32, #tpu.memory_space<vmem>>, vector<1x16xf32>,
      %get3A_1071 = vector.shape_cast %get3A_1070 : vector<1x16xf32> to vector<16xf32>
      %mul3A_1072 = arith.mulf %get3A_1071, %get3A_941 : vector<16xf32>
      %add3A_1073 = arith.addf %scan3A_926, %mul3A_1072 : vector<16xf32>
      %get3A_1074 = arith.index_cast %scan3A_904 : i32 to index
      %get3A_1075 = arith.constant 352 : index
      %get3A_1076 = tpu.vector_load %arg13[%get3A_1074, %get3A_1075] {strides = array<i32>} : memref<64x512xf32, #tpu.memory_space<vmem>>, vector<1x16xf32>,
      %get3A_1077 = vector.shape_cast %get3A_1076 : vector<1x16xf32> to vector<16xf32>
      %mul3A_1078 = arith.mulf %get3A_1077, %get3A_941 : vector<16xf32>
      %add3A_1079 = arith.addf %scan3A_927, %mul3A_1078 : vector<16xf32>
      %get3A_1080 = arith.index_cast %scan3A_904 : i32 to index
      %get3A_1081 = arith.constant 368 : index
      %get3A_1082 = tpu.vector_load %arg13[%get3A_1080, %get3A_1081] {strides = array<i32>} : memref<64x512xf32, #tpu.memory_space<vmem>>, vector<1x16xf32>,
      %get3A_1083 = vector.shape_cast %get3A_1082 : vector<1x16xf32> to vector<16xf32>
      %mul3A_1084 = arith.mulf %get3A_1083, %get3A_941 : vector<16xf32>
      %add3A_1085 = arith.addf %scan3A_928, %mul3A_1084 : vector<16xf32>
      %get3A_1086 = arith.index_cast %scan3A_904 : i32 to index
      %get3A_1087 = arith.constant 384 : index
      %get3A_1088 = tpu.vector_load %arg13[%get3A_1086, %get3A_1087] {strides = array<i32>} : memref<64x512xf32, #tpu.memory_space<vmem>>, vector<1x16xf32>,
      %get3A_1089 = vector.shape_cast %get3A_1088 : vector<1x16xf32> to vector<16xf32>
      %mul3A_1090 = arith.mulf %get3A_1089, %get3A_941 : vector<16xf32>
      %add3A_1091 = arith.addf %scan3A_929, %mul3A_1090 : vector<16xf32>
      %get3A_1092 = arith.index_cast %scan3A_904 : i32 to index
      %get3A_1093 = arith.constant 400 : index
      %get3A_1094 = tpu.vector_load %arg13[%get3A_1092, %get3A_1093] {strides = array<i32>} : memref<64x512xf32, #tpu.memory_space<vmem>>, vector<1x16xf32>,
      %get3A_1095 = vector.shape_cast %get3A_1094 : vector<1x16xf32> to vector<16xf32>
      %mul3A_1096 = arith.mulf %get3A_1095, %get3A_941 : vector<16xf32>
      %add3A_1097 = arith.addf %scan3A_930, %mul3A_1096 : vector<16xf32>
      %get3A_1098 = arith.index_cast %scan3A_904 : i32 to index
      %get3A_1099 = arith.constant 416 : index
      %get3A_1100 = tpu.vector_load %arg13[%get3A_1098, %get3A_1099] {strides = array<i32>} : memref<64x512xf32, #tpu.memory_space<vmem>>, vector<1x16xf32>,
      %get3A_1101 = vector.shape_cast %get3A_1100 : vector<1x16xf32> to vector<16xf32>
      %mul3A_1102 = arith.mulf %get3A_1101, %get3A_941 : vector<16xf32>
      %add3A_1103 = arith.addf %scan3A_931, %mul3A_1102 : vector<16xf32>
      %get3A_1104 = arith.index_cast %scan3A_904 : i32 to index
      %get3A_1105 = arith.constant 432 : index
      %get3A_1106 = tpu.vector_load %arg13[%get3A_1104, %get3A_1105] {strides = array<i32>} : memref<64x512xf32, #tpu.memory_space<vmem>>, vector<1x16xf32>,
      %get3A_1107 = vector.shape_cast %get3A_1106 : vector<1x16xf32> to vector<16xf32>
      %mul3A_1108 = arith.mulf %get3A_1107, %get3A_941 : vector<16xf32>
      %add3A_1109 = arith.addf %scan3A_932, %mul3A_1108 : vector<16xf32>
      %get3A_1110 = arith.index_cast %scan3A_904 : i32 to index
      %get3A_1111 = arith.constant 448 : index
      %get3A_1112 = tpu.vector_load %arg13[%get3A_1110, %get3A_1111] {strides = array<i32>} : memref<64x512xf32, #tpu.memory_space<vmem>>, vector<1x16xf32>,
      %get3A_1113 = vector.shape_cast %get3A_1112 : vector<1x16xf32> to vector<16xf32>
      %mul3A_1114 = arith.mulf %get3A_1113, %get3A_941 : vector<16xf32>
      %add3A_1115 = arith.addf %scan3A_933, %mul3A_1114 : vector<16xf32>
      %get3A_1116 = arith.index_cast %scan3A_904 : i32 to index
      %get3A_1117 = arith.constant 464 : index
      %get3A_1118 = tpu.vector_load %arg13[%get3A_1116, %get3A_1117] {strides = array<i32>} : memref<64x512xf32, #tpu.memory_space<vmem>>, vector<1x16xf32>,
      %get3A_1119 = vector.shape_cast %get3A_1118 : vector<1x16xf32> to vector<16xf32>
      %mul3A_1120 = arith.mulf %get3A_1119, %get3A_941 : vector<16xf32>
      %add3A_1121 = arith.addf %scan3A_934, %mul3A_1120 : vector<16xf32>
      %get3A_1122 = arith.index_cast %scan3A_904 : i32 to index
      %get3A_1123 = arith.constant 480 : index
      %get3A_1124 = tpu.vector_load %arg13[%get3A_1122, %get3A_1123] {strides = array<i32>} : memref<64x512xf32, #tpu.memory_space<vmem>>, vector<1x16xf32>,
      %get3A_1125 = vector.shape_cast %get3A_1124 : vector<1x16xf32> to vector<16xf32>
      %mul3A_1126 = arith.mulf %get3A_1125, %get3A_941 : vector<16xf32>
      %add3A_1127 = arith.addf %scan3A_935, %mul3A_1126 : vector<16xf32>
      %get3A_1128 = arith.index_cast %scan3A_904 : i32 to index
      %get3A_1129 = arith.constant 496 : index
      %get3A_1130 = tpu.vector_load %arg13[%get3A_1128, %get3A_1129] {strides = array<i32>} : memref<64x512xf32, #tpu.memory_space<vmem>>, vector<1x16xf32>,
      %get3A_1131 = vector.shape_cast %get3A_1130 : vector<1x16xf32> to vector<16xf32>
      %mul3A_1132 = arith.mulf %get3A_1131, %get3A_941 : vector<16xf32>
      %add3A_1133 = arith.addf %scan3A_936, %mul3A_1132 : vector<16xf32>
      scf.yield %add3A_947, %add3A_953, %add3A_959, %add3A_965, %add3A_971, %add3A_977, %add3A_983, %add3A_989, %add3A_995, %add3A_1001, %add3A_1007, %add3A_1013, %add3A_1019, %add3A_1025, %add3A_1031, %add3A_1037, %add3A_1043, %add3A_1049, %add3A_1055, %add3A_1061, %add3A_1067, %add3A_1073, %add3A_1079, %add3A_1085, %add3A_1091, %add3A_1097, %add3A_1103, %add3A_1109, %add3A_1115, %add3A_1121, %add3A_1127, %add3A_1133 : vector<16xf32>, vector<16xf32>, vector<16xf32>, vector<16xf32>, vector<16xf32>, vector<16xf32>, vector<16xf32>, vector<16xf32>, vector<16xf32>, vector<16xf32>, vector<16xf32>, vector<16xf32>, vector<16xf32>, vector<16xf32>, vector<16xf32>, vector<16xf32>, vector<16xf32>, vector<16xf32>, vector<16xf32>, vector<16xf32>, vector<16xf32>, vector<16xf32>, vector<16xf32>, vector<16xf32>, vector<16xf32>, vector<16xf32>, vector<16xf32>, vector<16xf32>, vector<16xf32>, vector<16xf32>, vector<16xf32>, vector<16xf32>
    }
    %scan3A_515 = arith.constant 64 : i32
    %dma_wait3A_516 = arith.constant 0 : i32
    %dma_wait3A_517 = tpu.memref_slice %arg6[%dma_wait3A_516] : memref<1000000xf32, #tpu.memory_space<hbm>> -> memref<1000000xf32, #tpu.memory_space<hbm>>
    tpu.wait_indirect_dma semaphore(%arg17 : memref<!tpu.dma_semaphore, #tpu.memory_space<semaphore_mem>>) src(%dma_wait3A_517 : memref<1000000xf32, #tpu.memory_space<hbm>>) dst(%arg11 : memref<512xf32, #tpu.memory_space<vmem>>)
    %dma_wait3A_518 = arith.constant 0 : i32
    %dma_wait3A_519 = tpu.memref_slice %arg7[%dma_wait3A_518] : memref<1000000xf32, #tpu.memory_space<hbm>> -> memref<1000000xf32, #tpu.memory_space<hbm>>
    tpu.wait_indirect_dma semaphore(%arg17 : memref<!tpu.dma_semaphore, #tpu.memory_space<semaphore_mem>>) src(%dma_wait3A_519 : memref<1000000xf32, #tpu.memory_space<hbm>>) dst(%arg12 : memref<512xf32, #tpu.memory_space<vmem>>)
    %get3A_520 = arith.constant 0 : index
    %get3A_521 = tpu.vector_load %arg11[%get3A_520] {strides = array<i32>} : memref<512xf32, #tpu.memory_space<vmem>>, vector<16xf32>,
    %get3A_522 = vector.shape_cast %get3A_521 : vector<16xf32> to vector<16xf32>
    %get3A_523 = arith.constant 0 : index
    %get3A_524 = tpu.vector_load %arg12[%get3A_523] {strides = array<i32>} : memref<512xf32, #tpu.memory_space<vmem>>, vector<16xf32>,
    %get3A_525 = vector.shape_cast %get3A_524 : vector<16xf32> to vector<16xf32>
    %add3A_526 = arith.addf %get3A_522, %get3A_525 : vector<16xf32>
    %add3A_527 = arith.addf %scan3A_514#0, %add3A_526 : vector<16xf32>
    %swap3A_528 = arith.constant 0 : index
    %swap3A_529 = tpu.vector_load %arg16[%swap3A_528] {strides = array<i32>} : memref<512xf32, #tpu.memory_space<vmem>>, vector<16xf32>,
    %swap3A_530 = vector.shape_cast %swap3A_529 : vector<16xf32> to vector<16xf32>
    %swap3A_531 = vector.shape_cast %add3A_527 : vector<16xf32> to vector<16xf32>
    tpu.vector_store %arg16[%swap3A_528], %swap3A_531 {strides = array<i32>} : memref<512xf32, #tpu.memory_space<vmem>>, vector<16xf32>,
    %get3A_532 = arith.constant 16 : index
    %get3A_533 = tpu.vector_load %arg11[%get3A_532] {strides = array<i32>} : memref<512xf32, #tpu.memory_space<vmem>>, vector<16xf32>,
    %get3A_534 = vector.shape_cast %get3A_533 : vector<16xf32> to vector<16xf32>
    %get3A_535 = arith.constant 16 : index
    %get3A_536 = tpu.vector_load %arg12[%get3A_535] {strides = array<i32>} : memref<512xf32, #tpu.memory_space<vmem>>, vector<16xf32>,
    %get3A_537 = vector.shape_cast %get3A_536 : vector<16xf32> to vector<16xf32>
    %add3A_538 = arith.addf %get3A_534, %get3A_537 : vector<16xf32>
    %add3A_539 = arith.addf %scan3A_514#1, %add3A_538 : vector<16xf32>
    %swap3A_540 = arith.constant 16 : index
    %swap3A_541 = tpu.vector_load %arg16[%swap3A_540] {strides = array<i32>} : memref<512xf32, #tpu.memory_space<vmem>>, vector<16xf32>,
    %swap3A_542 = vector.shape_cast %swap3A_541 : vector<16xf32> to vector<16xf32>
    %swap3A_543 = vector.shape_cast %add3A_539 : vector<16xf32> to vector<16xf32>
    tpu.vector_store %arg16[%swap3A_540], %swap3A_543 {strides = array<i32>} : memref<512xf32, #tpu.memory_space<vmem>>, vector<16xf32>,
    %get3A_544 = arith.constant 32 : index
    %get3A_545 = tpu.vector_load %arg11[%get3A_544] {strides = array<i32>} : memref<512xf32, #tpu.memory_space<vmem>>, vector<16xf32>,
    %get3A_546 = vector.shape_cast %get3A_545 : vector<16xf32> to vector<16xf32>
    %get3A_547 = arith.constant 32 : index
    %get3A_548 = tpu.vector_load %arg12[%get3A_547] {strides = array<i32>} : memref<512xf32, #tpu.memory_space<vmem>>, vector<16xf32>,
    %get3A_549 = vector.shape_cast %get3A_548 : vector<16xf32> to vector<16xf32>
    %add3A_550 = arith.addf %get3A_546, %get3A_549 : vector<16xf32>
    %add3A_551 = arith.addf %scan3A_514#2, %add3A_550 : vector<16xf32>
    %swap3A_552 = arith.constant 32 : index
    %swap3A_553 = tpu.vector_load %arg16[%swap3A_552] {strides = array<i32>} : memref<512xf32, #tpu.memory_space<vmem>>, vector<16xf32>,
    %swap3A_554 = vector.shape_cast %swap3A_553 : vector<16xf32> to vector<16xf32>
    %swap3A_555 = vector.shape_cast %add3A_551 : vector<16xf32> to vector<16xf32>
    tpu.vector_store %arg16[%swap3A_552], %swap3A_555 {strides = array<i32>} : memref<512xf32, #tpu.memory_space<vmem>>, vector<16xf32>,
    %get3A_556 = arith.constant 48 : index
    %get3A_557 = tpu.vector_load %arg11[%get3A_556] {strides = array<i32>} : memref<512xf32, #tpu.memory_space<vmem>>, vector<16xf32>,
    %get3A_558 = vector.shape_cast %get3A_557 : vector<16xf32> to vector<16xf32>
    %get3A_559 = arith.constant 48 : index
    %get3A_560 = tpu.vector_load %arg12[%get3A_559] {strides = array<i32>} : memref<512xf32, #tpu.memory_space<vmem>>, vector<16xf32>,
    %get3A_561 = vector.shape_cast %get3A_560 : vector<16xf32> to vector<16xf32>
    %add3A_562 = arith.addf %get3A_558, %get3A_561 : vector<16xf32>
    %add3A_563 = arith.addf %scan3A_514#3, %add3A_562 : vector<16xf32>
    %swap3A_564 = arith.constant 48 : index
    %swap3A_565 = tpu.vector_load %arg16[%swap3A_564] {strides = array<i32>} : memref<512xf32, #tpu.memory_space<vmem>>, vector<16xf32>,
    %swap3A_566 = vector.shape_cast %swap3A_565 : vector<16xf32> to vector<16xf32>
    %swap3A_567 = vector.shape_cast %add3A_563 : vector<16xf32> to vector<16xf32>
    tpu.vector_store %arg16[%swap3A_564], %swap3A_567 {strides = array<i32>} : memref<512xf32, #tpu.memory_space<vmem>>, vector<16xf32>,
    %get3A_568 = arith.constant 64 : index
    %get3A_569 = tpu.vector_load %arg11[%get3A_568] {strides = array<i32>} : memref<512xf32, #tpu.memory_space<vmem>>, vector<16xf32>,
    %get3A_570 = vector.shape_cast %get3A_569 : vector<16xf32> to vector<16xf32>
    %get3A_571 = arith.constant 64 : index
    %get3A_572 = tpu.vector_load %arg12[%get3A_571] {strides = array<i32>} : memref<512xf32, #tpu.memory_space<vmem>>, vector<16xf32>,
    %get3A_573 = vector.shape_cast %get3A_572 : vector<16xf32> to vector<16xf32>
    %add3A_574 = arith.addf %get3A_570, %get3A_573 : vector<16xf32>
    %add3A_575 = arith.addf %scan3A_514#4, %add3A_574 : vector<16xf32>
    %swap3A_576 = arith.constant 64 : index
    %swap3A_577 = tpu.vector_load %arg16[%swap3A_576] {strides = array<i32>} : memref<512xf32, #tpu.memory_space<vmem>>, vector<16xf32>,
    %swap3A_578 = vector.shape_cast %swap3A_577 : vector<16xf32> to vector<16xf32>
    %swap3A_579 = vector.shape_cast %add3A_575 : vector<16xf32> to vector<16xf32>
    tpu.vector_store %arg16[%swap3A_576], %swap3A_579 {strides = array<i32>} : memref<512xf32, #tpu.memory_space<vmem>>, vector<16xf32>,
    %get3A_580 = arith.constant 80 : index
    %get3A_581 = tpu.vector_load %arg11[%get3A_580] {strides = array<i32>} : memref<512xf32, #tpu.memory_space<vmem>>, vector<16xf32>,
    %get3A_582 = vector.shape_cast %get3A_581 : vector<16xf32> to vector<16xf32>
    %get3A_583 = arith.constant 80 : index
    %get3A_584 = tpu.vector_load %arg12[%get3A_583] {strides = array<i32>} : memref<512xf32, #tpu.memory_space<vmem>>, vector<16xf32>,
    %get3A_585 = vector.shape_cast %get3A_584 : vector<16xf32> to vector<16xf32>
    %add3A_586 = arith.addf %get3A_582, %get3A_585 : vector<16xf32>
    %add3A_587 = arith.addf %scan3A_514#5, %add3A_586 : vector<16xf32>
    %swap3A_588 = arith.constant 80 : index
    %swap3A_589 = tpu.vector_load %arg16[%swap3A_588] {strides = array<i32>} : memref<512xf32, #tpu.memory_space<vmem>>, vector<16xf32>,
    %swap3A_590 = vector.shape_cast %swap3A_589 : vector<16xf32> to vector<16xf32>
    %swap3A_591 = vector.shape_cast %add3A_587 : vector<16xf32> to vector<16xf32>
    tpu.vector_store %arg16[%swap3A_588], %swap3A_591 {strides = array<i32>} : memref<512xf32, #tpu.memory_space<vmem>>, vector<16xf32>,
    %get3A_592 = arith.constant 96 : index
    %get3A_593 = tpu.vector_load %arg11[%get3A_592] {strides = array<i32>} : memref<512xf32, #tpu.memory_space<vmem>>, vector<16xf32>,
    %get3A_594 = vector.shape_cast %get3A_593 : vector<16xf32> to vector<16xf32>
    %get3A_595 = arith.constant 96 : index
    %get3A_596 = tpu.vector_load %arg12[%get3A_595] {strides = array<i32>} : memref<512xf32, #tpu.memory_space<vmem>>, vector<16xf32>,
    %get3A_597 = vector.shape_cast %get3A_596 : vector<16xf32> to vector<16xf32>
    %add3A_598 = arith.addf %get3A_594, %get3A_597 : vector<16xf32>
    %add3A_599 = arith.addf %scan3A_514#6, %add3A_598 : vector<16xf32>
    %swap3A_600 = arith.constant 96 : index
    %swap3A_601 = tpu.vector_load %arg16[%swap3A_600] {strides = array<i32>} : memref<512xf32, #tpu.memory_space<vmem>>, vector<16xf32>,
    %swap3A_602 = vector.shape_cast %swap3A_601 : vector<16xf32> to vector<16xf32>
    %swap3A_603 = vector.shape_cast %add3A_599 : vector<16xf32> to vector<16xf32>
    tpu.vector_store %arg16[%swap3A_600], %swap3A_603 {strides = array<i32>} : memref<512xf32, #tpu.memory_space<vmem>>, vector<16xf32>,
    %get3A_604 = arith.constant 112 : index
    %get3A_605 = tpu.vector_load %arg11[%get3A_604] {strides = array<i32>} : memref<512xf32, #tpu.memory_space<vmem>>, vector<16xf32>,
    %get3A_606 = vector.shape_cast %get3A_605 : vector<16xf32> to vector<16xf32>
    %get3A_607 = arith.constant 112 : index
    %get3A_608 = tpu.vector_load %arg12[%get3A_607] {strides = array<i32>} : memref<512xf32, #tpu.memory_space<vmem>>, vector<16xf32>,
    %get3A_609 = vector.shape_cast %get3A_608 : vector<16xf32> to vector<16xf32>
    %add3A_610 = arith.addf %get3A_606, %get3A_609 : vector<16xf32>
    %add3A_611 = arith.addf %scan3A_514#7, %add3A_610 : vector<16xf32>
    %swap3A_612 = arith.constant 112 : index
    %swap3A_613 = tpu.vector_load %arg16[%swap3A_612] {strides = array<i32>} : memref<512xf32, #tpu.memory_space<vmem>>, vector<16xf32>,
    %swap3A_614 = vector.shape_cast %swap3A_613 : vector<16xf32> to vector<16xf32>
    %swap3A_615 = vector.shape_cast %add3A_611 : vector<16xf32> to vector<16xf32>
    tpu.vector_store %arg16[%swap3A_612], %swap3A_615 {strides = array<i32>} : memref<512xf32, #tpu.memory_space<vmem>>, vector<16xf32>,
    %get3A_616 = arith.constant 128 : index
    %get3A_617 = tpu.vector_load %arg11[%get3A_616] {strides = array<i32>} : memref<512xf32, #tpu.memory_space<vmem>>, vector<16xf32>,
    %get3A_618 = vector.shape_cast %get3A_617 : vector<16xf32> to vector<16xf32>
    %get3A_619 = arith.constant 128 : index
    %get3A_620 = tpu.vector_load %arg12[%get3A_619] {strides = array<i32>} : memref<512xf32, #tpu.memory_space<vmem>>, vector<16xf32>,
    %get3A_621 = vector.shape_cast %get3A_620 : vector<16xf32> to vector<16xf32>
    %add3A_622 = arith.addf %get3A_618, %get3A_621 : vector<16xf32>
    %add3A_623 = arith.addf %scan3A_514#8, %add3A_622 : vector<16xf32>
    %swap3A_624 = arith.constant 128 : index
    %swap3A_625 = tpu.vector_load %arg16[%swap3A_624] {strides = array<i32>} : memref<512xf32, #tpu.memory_space<vmem>>, vector<16xf32>,
    %swap3A_626 = vector.shape_cast %swap3A_625 : vector<16xf32> to vector<16xf32>
    %swap3A_627 = vector.shape_cast %add3A_623 : vector<16xf32> to vector<16xf32>
    tpu.vector_store %arg16[%swap3A_624], %swap3A_627 {strides = array<i32>} : memref<512xf32, #tpu.memory_space<vmem>>, vector<16xf32>,
    %get3A_628 = arith.constant 144 : index
    %get3A_629 = tpu.vector_load %arg11[%get3A_628] {strides = array<i32>} : memref<512xf32, #tpu.memory_space<vmem>>, vector<16xf32>,
    %get3A_630 = vector.shape_cast %get3A_629 : vector<16xf32> to vector<16xf32>
    %get3A_631 = arith.constant 144 : index
    %get3A_632 = tpu.vector_load %arg12[%get3A_631] {strides = array<i32>} : memref<512xf32, #tpu.memory_space<vmem>>, vector<16xf32>,
    %get3A_633 = vector.shape_cast %get3A_632 : vector<16xf32> to vector<16xf32>
    %add3A_634 = arith.addf %get3A_630, %get3A_633 : vector<16xf32>
    %add3A_635 = arith.addf %scan3A_514#9, %add3A_634 : vector<16xf32>
    %swap3A_636 = arith.constant 144 : index
    %swap3A_637 = tpu.vector_load %arg16[%swap3A_636] {strides = array<i32>} : memref<512xf32, #tpu.memory_space<vmem>>, vector<16xf32>,
    %swap3A_638 = vector.shape_cast %swap3A_637 : vector<16xf32> to vector<16xf32>
    %swap3A_639 = vector.shape_cast %add3A_635 : vector<16xf32> to vector<16xf32>
    tpu.vector_store %arg16[%swap3A_636], %swap3A_639 {strides = array<i32>} : memref<512xf32, #tpu.memory_space<vmem>>, vector<16xf32>,
    %get3A_640 = arith.constant 160 : index
    %get3A_641 = tpu.vector_load %arg11[%get3A_640] {strides = array<i32>} : memref<512xf32, #tpu.memory_space<vmem>>, vector<16xf32>,
    %get3A_642 = vector.shape_cast %get3A_641 : vector<16xf32> to vector<16xf32>
    %get3A_643 = arith.constant 160 : index
    %get3A_644 = tpu.vector_load %arg12[%get3A_643] {strides = array<i32>} : memref<512xf32, #tpu.memory_space<vmem>>, vector<16xf32>,
    %get3A_645 = vector.shape_cast %get3A_644 : vector<16xf32> to vector<16xf32>
    %add3A_646 = arith.addf %get3A_642, %get3A_645 : vector<16xf32>
    %add3A_647 = arith.addf %scan3A_514#10, %add3A_646 : vector<16xf32>
    %swap3A_648 = arith.constant 160 : index
    %swap3A_649 = tpu.vector_load %arg16[%swap3A_648] {strides = array<i32>} : memref<512xf32, #tpu.memory_space<vmem>>, vector<16xf32>,
    %swap3A_650 = vector.shape_cast %swap3A_649 : vector<16xf32> to vector<16xf32>
    %swap3A_651 = vector.shape_cast %add3A_647 : vector<16xf32> to vector<16xf32>
    tpu.vector_store %arg16[%swap3A_648], %swap3A_651 {strides = array<i32>} : memref<512xf32, #tpu.memory_space<vmem>>, vector<16xf32>,
    %get3A_652 = arith.constant 176 : index
    %get3A_653 = tpu.vector_load %arg11[%get3A_652] {strides = array<i32>} : memref<512xf32, #tpu.memory_space<vmem>>, vector<16xf32>,
    %get3A_654 = vector.shape_cast %get3A_653 : vector<16xf32> to vector<16xf32>
    %get3A_655 = arith.constant 176 : index
    %get3A_656 = tpu.vector_load %arg12[%get3A_655] {strides = array<i32>} : memref<512xf32, #tpu.memory_space<vmem>>, vector<16xf32>,
    %get3A_657 = vector.shape_cast %get3A_656 : vector<16xf32> to vector<16xf32>
    %add3A_658 = arith.addf %get3A_654, %get3A_657 : vector<16xf32>
    %add3A_659 = arith.addf %scan3A_514#11, %add3A_658 : vector<16xf32>
    %swap3A_660 = arith.constant 176 : index
    %swap3A_661 = tpu.vector_load %arg16[%swap3A_660] {strides = array<i32>} : memref<512xf32, #tpu.memory_space<vmem>>, vector<16xf32>,
    %swap3A_662 = vector.shape_cast %swap3A_661 : vector<16xf32> to vector<16xf32>
    %swap3A_663 = vector.shape_cast %add3A_659 : vector<16xf32> to vector<16xf32>
    tpu.vector_store %arg16[%swap3A_660], %swap3A_663 {strides = array<i32>} : memref<512xf32, #tpu.memory_space<vmem>>, vector<16xf32>,
    %get3A_664 = arith.constant 192 : index
    %get3A_665 = tpu.vector_load %arg11[%get3A_664] {strides = array<i32>} : memref<512xf32, #tpu.memory_space<vmem>>, vector<16xf32>,
    %get3A_666 = vector.shape_cast %get3A_665 : vector<16xf32> to vector<16xf32>
    %get3A_667 = arith.constant 192 : index
    %get3A_668 = tpu.vector_load %arg12[%get3A_667] {strides = array<i32>} : memref<512xf32, #tpu.memory_space<vmem>>, vector<16xf32>,
    %get3A_669 = vector.shape_cast %get3A_668 : vector<16xf32> to vector<16xf32>
    %add3A_670 = arith.addf %get3A_666, %get3A_669 : vector<16xf32>
    %add3A_671 = arith.addf %scan3A_514#12, %add3A_670 : vector<16xf32>
    %swap3A_672 = arith.constant 192 : index
    %swap3A_673 = tpu.vector_load %arg16[%swap3A_672] {strides = array<i32>} : memref<512xf32, #tpu.memory_space<vmem>>, vector<16xf32>,
    %swap3A_674 = vector.shape_cast %swap3A_673 : vector<16xf32> to vector<16xf32>
    %swap3A_675 = vector.shape_cast %add3A_671 : vector<16xf32> to vector<16xf32>
    tpu.vector_store %arg16[%swap3A_672], %swap3A_675 {strides = array<i32>} : memref<512xf32, #tpu.memory_space<vmem>>, vector<16xf32>,
    %get3A_676 = arith.constant 208 : index
    %get3A_677 = tpu.vector_load %arg11[%get3A_676] {strides = array<i32>} : memref<512xf32, #tpu.memory_space<vmem>>, vector<16xf32>,
    %get3A_678 = vector.shape_cast %get3A_677 : vector<16xf32> to vector<16xf32>
    %get3A_679 = arith.constant 208 : index
    %get3A_680 = tpu.vector_load %arg12[%get3A_679] {strides = array<i32>} : memref<512xf32, #tpu.memory_space<vmem>>, vector<16xf32>,
    %get3A_681 = vector.shape_cast %get3A_680 : vector<16xf32> to vector<16xf32>
    %add3A_682 = arith.addf %get3A_678, %get3A_681 : vector<16xf32>
    %add3A_683 = arith.addf %scan3A_514#13, %add3A_682 : vector<16xf32>
    %swap3A_684 = arith.constant 208 : index
    %swap3A_685 = tpu.vector_load %arg16[%swap3A_684] {strides = array<i32>} : memref<512xf32, #tpu.memory_space<vmem>>, vector<16xf32>,
    %swap3A_686 = vector.shape_cast %swap3A_685 : vector<16xf32> to vector<16xf32>
    %swap3A_687 = vector.shape_cast %add3A_683 : vector<16xf32> to vector<16xf32>
    tpu.vector_store %arg16[%swap3A_684], %swap3A_687 {strides = array<i32>} : memref<512xf32, #tpu.memory_space<vmem>>, vector<16xf32>,
    %get3A_688 = arith.constant 224 : index
    %get3A_689 = tpu.vector_load %arg11[%get3A_688] {strides = array<i32>} : memref<512xf32, #tpu.memory_space<vmem>>, vector<16xf32>,
    %get3A_690 = vector.shape_cast %get3A_689 : vector<16xf32> to vector<16xf32>
    %get3A_691 = arith.constant 224 : index
    %get3A_692 = tpu.vector_load %arg12[%get3A_691] {strides = array<i32>} : memref<512xf32, #tpu.memory_space<vmem>>, vector<16xf32>,
    %get3A_693 = vector.shape_cast %get3A_692 : vector<16xf32> to vector<16xf32>
    %add3A_694 = arith.addf %get3A_690, %get3A_693 : vector<16xf32>
    %add3A_695 = arith.addf %scan3A_514#14, %add3A_694 : vector<16xf32>
    %swap3A_696 = arith.constant 224 : index
    %swap3A_697 = tpu.vector_load %arg16[%swap3A_696] {strides = array<i32>} : memref<512xf32, #tpu.memory_space<vmem>>, vector<16xf32>,
    %swap3A_698 = vector.shape_cast %swap3A_697 : vector<16xf32> to vector<16xf32>
    %swap3A_699 = vector.shape_cast %add3A_695 : vector<16xf32> to vector<16xf32>
    tpu.vector_store %arg16[%swap3A_696], %swap3A_699 {strides = array<i32>} : memref<512xf32, #tpu.memory_space<vmem>>, vector<16xf32>,
    %get3A_700 = arith.constant 240 : index
    %get3A_701 = tpu.vector_load %arg11[%get3A_700] {strides = array<i32>} : memref<512xf32, #tpu.memory_space<vmem>>, vector<16xf32>,
    %get3A_702 = vector.shape_cast %get3A_701 : vector<16xf32> to vector<16xf32>
    %get3A_703 = arith.constant 240 : index
    %get3A_704 = tpu.vector_load %arg12[%get3A_703] {strides = array<i32>} : memref<512xf32, #tpu.memory_space<vmem>>, vector<16xf32>,
    %get3A_705 = vector.shape_cast %get3A_704 : vector<16xf32> to vector<16xf32>
    %add3A_706 = arith.addf %get3A_702, %get3A_705 : vector<16xf32>
    %add3A_707 = arith.addf %scan3A_514#15, %add3A_706 : vector<16xf32>
    %swap3A_708 = arith.constant 240 : index
    %swap3A_709 = tpu.vector_load %arg16[%swap3A_708] {strides = array<i32>} : memref<512xf32, #tpu.memory_space<vmem>>, vector<16xf32>,
    %swap3A_710 = vector.shape_cast %swap3A_709 : vector<16xf32> to vector<16xf32>
    %swap3A_711 = vector.shape_cast %add3A_707 : vector<16xf32> to vector<16xf32>
    tpu.vector_store %arg16[%swap3A_708], %swap3A_711 {strides = array<i32>} : memref<512xf32, #tpu.memory_space<vmem>>, vector<16xf32>,
    %get3A_712 = arith.constant 256 : index
    %get3A_713 = tpu.vector_load %arg11[%get3A_712] {strides = array<i32>} : memref<512xf32, #tpu.memory_space<vmem>>, vector<16xf32>,
    %get3A_714 = vector.shape_cast %get3A_713 : vector<16xf32> to vector<16xf32>
    %get3A_715 = arith.constant 256 : index
    %get3A_716 = tpu.vector_load %arg12[%get3A_715] {strides = array<i32>} : memref<512xf32, #tpu.memory_space<vmem>>, vector<16xf32>,
    %get3A_717 = vector.shape_cast %get3A_716 : vector<16xf32> to vector<16xf32>
    %add3A_718 = arith.addf %get3A_714, %get3A_717 : vector<16xf32>
    %add3A_719 = arith.addf %scan3A_514#16, %add3A_718 : vector<16xf32>
    %swap3A_720 = arith.constant 256 : index
    %swap3A_721 = tpu.vector_load %arg16[%swap3A_720] {strides = array<i32>} : memref<512xf32, #tpu.memory_space<vmem>>, vector<16xf32>,
    %swap3A_722 = vector.shape_cast %swap3A_721 : vector<16xf32> to vector<16xf32>
    %swap3A_723 = vector.shape_cast %add3A_719 : vector<16xf32> to vector<16xf32>
    tpu.vector_store %arg16[%swap3A_720], %swap3A_723 {strides = array<i32>} : memref<512xf32, #tpu.memory_space<vmem>>, vector<16xf32>,
    %get3A_724 = arith.constant 272 : index
    %get3A_725 = tpu.vector_load %arg11[%get3A_724] {strides = array<i32>} : memref<512xf32, #tpu.memory_space<vmem>>, vector<16xf32>,
    %get3A_726 = vector.shape_cast %get3A_725 : vector<16xf32> to vector<16xf32>
    %get3A_727 = arith.constant 272 : index
    %get3A_728 = tpu.vector_load %arg12[%get3A_727] {strides = array<i32>} : memref<512xf32, #tpu.memory_space<vmem>>, vector<16xf32>,
    %get3A_729 = vector.shape_cast %get3A_728 : vector<16xf32> to vector<16xf32>
    %add3A_730 = arith.addf %get3A_726, %get3A_729 : vector<16xf32>
    %add3A_731 = arith.addf %scan3A_514#17, %add3A_730 : vector<16xf32>
    %swap3A_732 = arith.constant 272 : index
    %swap3A_733 = tpu.vector_load %arg16[%swap3A_732] {strides = array<i32>} : memref<512xf32, #tpu.memory_space<vmem>>, vector<16xf32>,
    %swap3A_734 = vector.shape_cast %swap3A_733 : vector<16xf32> to vector<16xf32>
    %swap3A_735 = vector.shape_cast %add3A_731 : vector<16xf32> to vector<16xf32>
    tpu.vector_store %arg16[%swap3A_732], %swap3A_735 {strides = array<i32>} : memref<512xf32, #tpu.memory_space<vmem>>, vector<16xf32>,
    %get3A_736 = arith.constant 288 : index
    %get3A_737 = tpu.vector_load %arg11[%get3A_736] {strides = array<i32>} : memref<512xf32, #tpu.memory_space<vmem>>, vector<16xf32>,
    %get3A_738 = vector.shape_cast %get3A_737 : vector<16xf32> to vector<16xf32>
    %get3A_739 = arith.constant 288 : index
    %get3A_740 = tpu.vector_load %arg12[%get3A_739] {strides = array<i32>} : memref<512xf32, #tpu.memory_space<vmem>>, vector<16xf32>,
    %get3A_741 = vector.shape_cast %get3A_740 : vector<16xf32> to vector<16xf32>
    %add3A_742 = arith.addf %get3A_738, %get3A_741 : vector<16xf32>
    %add3A_743 = arith.addf %scan3A_514#18, %add3A_742 : vector<16xf32>
    %swap3A_744 = arith.constant 288 : index
    %swap3A_745 = tpu.vector_load %arg16[%swap3A_744] {strides = array<i32>} : memref<512xf32, #tpu.memory_space<vmem>>, vector<16xf32>,
    %swap3A_746 = vector.shape_cast %swap3A_745 : vector<16xf32> to vector<16xf32>
    %swap3A_747 = vector.shape_cast %add3A_743 : vector<16xf32> to vector<16xf32>
    tpu.vector_store %arg16[%swap3A_744], %swap3A_747 {strides = array<i32>} : memref<512xf32, #tpu.memory_space<vmem>>, vector<16xf32>,
    %get3A_748 = arith.constant 304 : index
    %get3A_749 = tpu.vector_load %arg11[%get3A_748] {strides = array<i32>} : memref<512xf32, #tpu.memory_space<vmem>>, vector<16xf32>,
    %get3A_750 = vector.shape_cast %get3A_749 : vector<16xf32> to vector<16xf32>
    %get3A_751 = arith.constant 304 : index
    %get3A_752 = tpu.vector_load %arg12[%get3A_751] {strides = array<i32>} : memref<512xf32, #tpu.memory_space<vmem>>, vector<16xf32>,
    %get3A_753 = vector.shape_cast %get3A_752 : vector<16xf32> to vector<16xf32>
    %add3A_754 = arith.addf %get3A_750, %get3A_753 : vector<16xf32>
    %add3A_755 = arith.addf %scan3A_514#19, %add3A_754 : vector<16xf32>
    %swap3A_756 = arith.constant 304 : index
    %swap3A_757 = tpu.vector_load %arg16[%swap3A_756] {strides = array<i32>} : memref<512xf32, #tpu.memory_space<vmem>>, vector<16xf32>,
    %swap3A_758 = vector.shape_cast %swap3A_757 : vector<16xf32> to vector<16xf32>
    %swap3A_759 = vector.shape_cast %add3A_755 : vector<16xf32> to vector<16xf32>
    tpu.vector_store %arg16[%swap3A_756], %swap3A_759 {strides = array<i32>} : memref<512xf32, #tpu.memory_space<vmem>>, vector<16xf32>,
    %get3A_760 = arith.constant 320 : index
    %get3A_761 = tpu.vector_load %arg11[%get3A_760] {strides = array<i32>} : memref<512xf32, #tpu.memory_space<vmem>>, vector<16xf32>,
    %get3A_762 = vector.shape_cast %get3A_761 : vector<16xf32> to vector<16xf32>
    %get3A_763 = arith.constant 320 : index
    %get3A_764 = tpu.vector_load %arg12[%get3A_763] {strides = array<i32>} : memref<512xf32, #tpu.memory_space<vmem>>, vector<16xf32>,
    %get3A_765 = vector.shape_cast %get3A_764 : vector<16xf32> to vector<16xf32>
    %add3A_766 = arith.addf %get3A_762, %get3A_765 : vector<16xf32>
    %add3A_767 = arith.addf %scan3A_514#20, %add3A_766 : vector<16xf32>
    %swap3A_768 = arith.constant 320 : index
    %swap3A_769 = tpu.vector_load %arg16[%swap3A_768] {strides = array<i32>} : memref<512xf32, #tpu.memory_space<vmem>>, vector<16xf32>,
    %swap3A_770 = vector.shape_cast %swap3A_769 : vector<16xf32> to vector<16xf32>
    %swap3A_771 = vector.shape_cast %add3A_767 : vector<16xf32> to vector<16xf32>
    tpu.vector_store %arg16[%swap3A_768], %swap3A_771 {strides = array<i32>} : memref<512xf32, #tpu.memory_space<vmem>>, vector<16xf32>,
    %get3A_772 = arith.constant 336 : index
    %get3A_773 = tpu.vector_load %arg11[%get3A_772] {strides = array<i32>} : memref<512xf32, #tpu.memory_space<vmem>>, vector<16xf32>,
    %get3A_774 = vector.shape_cast %get3A_773 : vector<16xf32> to vector<16xf32>
    %get3A_775 = arith.constant 336 : index
    %get3A_776 = tpu.vector_load %arg12[%get3A_775] {strides = array<i32>} : memref<512xf32, #tpu.memory_space<vmem>>, vector<16xf32>,
    %get3A_777 = vector.shape_cast %get3A_776 : vector<16xf32> to vector<16xf32>
    %add3A_778 = arith.addf %get3A_774, %get3A_777 : vector<16xf32>
    %add3A_779 = arith.addf %scan3A_514#21, %add3A_778 : vector<16xf32>
    %swap3A_780 = arith.constant 336 : index
    %swap3A_781 = tpu.vector_load %arg16[%swap3A_780] {strides = array<i32>} : memref<512xf32, #tpu.memory_space<vmem>>, vector<16xf32>,
    %swap3A_782 = vector.shape_cast %swap3A_781 : vector<16xf32> to vector<16xf32>
    %swap3A_783 = vector.shape_cast %add3A_779 : vector<16xf32> to vector<16xf32>
    tpu.vector_store %arg16[%swap3A_780], %swap3A_783 {strides = array<i32>} : memref<512xf32, #tpu.memory_space<vmem>>, vector<16xf32>,
    %get3A_784 = arith.constant 352 : index
    %get3A_785 = tpu.vector_load %arg11[%get3A_784] {strides = array<i32>} : memref<512xf32, #tpu.memory_space<vmem>>, vector<16xf32>,
    %get3A_786 = vector.shape_cast %get3A_785 : vector<16xf32> to vector<16xf32>
    %get3A_787 = arith.constant 352 : index
    %get3A_788 = tpu.vector_load %arg12[%get3A_787] {strides = array<i32>} : memref<512xf32, #tpu.memory_space<vmem>>, vector<16xf32>,
    %get3A_789 = vector.shape_cast %get3A_788 : vector<16xf32> to vector<16xf32>
    %add3A_790 = arith.addf %get3A_786, %get3A_789 : vector<16xf32>
    %add3A_791 = arith.addf %scan3A_514#22, %add3A_790 : vector<16xf32>
    %swap3A_792 = arith.constant 352 : index
    %swap3A_793 = tpu.vector_load %arg16[%swap3A_792] {strides = array<i32>} : memref<512xf32, #tpu.memory_space<vmem>>, vector<16xf32>,
    %swap3A_794 = vector.shape_cast %swap3A_793 : vector<16xf32> to vector<16xf32>
    %swap3A_795 = vector.shape_cast %add3A_791 : vector<16xf32> to vector<16xf32>
    tpu.vector_store %arg16[%swap3A_792], %swap3A_795 {strides = array<i32>} : memref<512xf32, #tpu.memory_space<vmem>>, vector<16xf32>,
    %get3A_796 = arith.constant 368 : index
    %get3A_797 = tpu.vector_load %arg11[%get3A_796] {strides = array<i32>} : memref<512xf32, #tpu.memory_space<vmem>>, vector<16xf32>,
    %get3A_798 = vector.shape_cast %get3A_797 : vector<16xf32> to vector<16xf32>
    %get3A_799 = arith.constant 368 : index
    %get3A_800 = tpu.vector_load %arg12[%get3A_799] {strides = array<i32>} : memref<512xf32, #tpu.memory_space<vmem>>, vector<16xf32>,
    %get3A_801 = vector.shape_cast %get3A_800 : vector<16xf32> to vector<16xf32>
    %add3A_802 = arith.addf %get3A_798, %get3A_801 : vector<16xf32>
    %add3A_803 = arith.addf %scan3A_514#23, %add3A_802 : vector<16xf32>
    %swap3A_804 = arith.constant 368 : index
    %swap3A_805 = tpu.vector_load %arg16[%swap3A_804] {strides = array<i32>} : memref<512xf32, #tpu.memory_space<vmem>>, vector<16xf32>,
    %swap3A_806 = vector.shape_cast %swap3A_805 : vector<16xf32> to vector<16xf32>
    %swap3A_807 = vector.shape_cast %add3A_803 : vector<16xf32> to vector<16xf32>
    tpu.vector_store %arg16[%swap3A_804], %swap3A_807 {strides = array<i32>} : memref<512xf32, #tpu.memory_space<vmem>>, vector<16xf32>,
    %get3A_808 = arith.constant 384 : index
    %get3A_809 = tpu.vector_load %arg11[%get3A_808] {strides = array<i32>} : memref<512xf32, #tpu.memory_space<vmem>>, vector<16xf32>,
    %get3A_810 = vector.shape_cast %get3A_809 : vector<16xf32> to vector<16xf32>
    %get3A_811 = arith.constant 384 : index
    %get3A_812 = tpu.vector_load %arg12[%get3A_811] {strides = array<i32>} : memref<512xf32, #tpu.memory_space<vmem>>, vector<16xf32>,
    %get3A_813 = vector.shape_cast %get3A_812 : vector<16xf32> to vector<16xf32>
    %add3A_814 = arith.addf %get3A_810, %get3A_813 : vector<16xf32>
    %add3A_815 = arith.addf %scan3A_514#24, %add3A_814 : vector<16xf32>
    %swap3A_816 = arith.constant 384 : index
    %swap3A_817 = tpu.vector_load %arg16[%swap3A_816] {strides = array<i32>} : memref<512xf32, #tpu.memory_space<vmem>>, vector<16xf32>,
    %swap3A_818 = vector.shape_cast %swap3A_817 : vector<16xf32> to vector<16xf32>
    %swap3A_819 = vector.shape_cast %add3A_815 : vector<16xf32> to vector<16xf32>
    tpu.vector_store %arg16[%swap3A_816], %swap3A_819 {strides = array<i32>} : memref<512xf32, #tpu.memory_space<vmem>>, vector<16xf32>,
    %get3A_820 = arith.constant 400 : index
    %get3A_821 = tpu.vector_load %arg11[%get3A_820] {strides = array<i32>} : memref<512xf32, #tpu.memory_space<vmem>>, vector<16xf32>,
    %get3A_822 = vector.shape_cast %get3A_821 : vector<16xf32> to vector<16xf32>
    %get3A_823 = arith.constant 400 : index
    %get3A_824 = tpu.vector_load %arg12[%get3A_823] {strides = array<i32>} : memref<512xf32, #tpu.memory_space<vmem>>, vector<16xf32>,
    %get3A_825 = vector.shape_cast %get3A_824 : vector<16xf32> to vector<16xf32>
    %add3A_826 = arith.addf %get3A_822, %get3A_825 : vector<16xf32>
    %add3A_827 = arith.addf %scan3A_514#25, %add3A_826 : vector<16xf32>
    %swap3A_828 = arith.constant 400 : index
    %swap3A_829 = tpu.vector_load %arg16[%swap3A_828] {strides = array<i32>} : memref<512xf32, #tpu.memory_space<vmem>>, vector<16xf32>,
    %swap3A_830 = vector.shape_cast %swap3A_829 : vector<16xf32> to vector<16xf32>
    %swap3A_831 = vector.shape_cast %add3A_827 : vector<16xf32> to vector<16xf32>
    tpu.vector_store %arg16[%swap3A_828], %swap3A_831 {strides = array<i32>} : memref<512xf32, #tpu.memory_space<vmem>>, vector<16xf32>,
    %get3A_832 = arith.constant 416 : index
    %get3A_833 = tpu.vector_load %arg11[%get3A_832] {strides = array<i32>} : memref<512xf32, #tpu.memory_space<vmem>>, vector<16xf32>,
    %get3A_834 = vector.shape_cast %get3A_833 : vector<16xf32> to vector<16xf32>
    %get3A_835 = arith.constant 416 : index
    %get3A_836 = tpu.vector_load %arg12[%get3A_835] {strides = array<i32>} : memref<512xf32, #tpu.memory_space<vmem>>, vector<16xf32>,
    %get3A_837 = vector.shape_cast %get3A_836 : vector<16xf32> to vector<16xf32>
    %add3A_838 = arith.addf %get3A_834, %get3A_837 : vector<16xf32>
    %add3A_839 = arith.addf %scan3A_514#26, %add3A_838 : vector<16xf32>
    %swap3A_840 = arith.constant 416 : index
    %swap3A_841 = tpu.vector_load %arg16[%swap3A_840] {strides = array<i32>} : memref<512xf32, #tpu.memory_space<vmem>>, vector<16xf32>,
    %swap3A_842 = vector.shape_cast %swap3A_841 : vector<16xf32> to vector<16xf32>
    %swap3A_843 = vector.shape_cast %add3A_839 : vector<16xf32> to vector<16xf32>
    tpu.vector_store %arg16[%swap3A_840], %swap3A_843 {strides = array<i32>} : memref<512xf32, #tpu.memory_space<vmem>>, vector<16xf32>,
    %get3A_844 = arith.constant 432 : index
    %get3A_845 = tpu.vector_load %arg11[%get3A_844] {strides = array<i32>} : memref<512xf32, #tpu.memory_space<vmem>>, vector<16xf32>,
    %get3A_846 = vector.shape_cast %get3A_845 : vector<16xf32> to vector<16xf32>
    %get3A_847 = arith.constant 432 : index
    %get3A_848 = tpu.vector_load %arg12[%get3A_847] {strides = array<i32>} : memref<512xf32, #tpu.memory_space<vmem>>, vector<16xf32>,
    %get3A_849 = vector.shape_cast %get3A_848 : vector<16xf32> to vector<16xf32>
    %add3A_850 = arith.addf %get3A_846, %get3A_849 : vector<16xf32>
    %add3A_851 = arith.addf %scan3A_514#27, %add3A_850 : vector<16xf32>
    %swap3A_852 = arith.constant 432 : index
    %swap3A_853 = tpu.vector_load %arg16[%swap3A_852] {strides = array<i32>} : memref<512xf32, #tpu.memory_space<vmem>>, vector<16xf32>,
    %swap3A_854 = vector.shape_cast %swap3A_853 : vector<16xf32> to vector<16xf32>
    %swap3A_855 = vector.shape_cast %add3A_851 : vector<16xf32> to vector<16xf32>
    tpu.vector_store %arg16[%swap3A_852], %swap3A_855 {strides = array<i32>} : memref<512xf32, #tpu.memory_space<vmem>>, vector<16xf32>,
    %get3A_856 = arith.constant 448 : index
    %get3A_857 = tpu.vector_load %arg11[%get3A_856] {strides = array<i32>} : memref<512xf32, #tpu.memory_space<vmem>>, vector<16xf32>,
    %get3A_858 = vector.shape_cast %get3A_857 : vector<16xf32> to vector<16xf32>
    %get3A_859 = arith.constant 448 : index
    %get3A_860 = tpu.vector_load %arg12[%get3A_859] {strides = array<i32>} : memref<512xf32, #tpu.memory_space<vmem>>, vector<16xf32>,
    %get3A_861 = vector.shape_cast %get3A_860 : vector<16xf32> to vector<16xf32>
    %add3A_862 = arith.addf %get3A_858, %get3A_861 : vector<16xf32>
    %add3A_863 = arith.addf %scan3A_514#28, %add3A_862 : vector<16xf32>
    %swap3A_864 = arith.constant 448 : index
    %swap3A_865 = tpu.vector_load %arg16[%swap3A_864] {strides = array<i32>} : memref<512xf32, #tpu.memory_space<vmem>>, vector<16xf32>,
    %swap3A_866 = vector.shape_cast %swap3A_865 : vector<16xf32> to vector<16xf32>
    %swap3A_867 = vector.shape_cast %add3A_863 : vector<16xf32> to vector<16xf32>
    tpu.vector_store %arg16[%swap3A_864], %swap3A_867 {strides = array<i32>} : memref<512xf32, #tpu.memory_space<vmem>>, vector<16xf32>,
    %get3A_868 = arith.constant 464 : index
    %get3A_869 = tpu.vector_load %arg11[%get3A_868] {strides = array<i32>} : memref<512xf32, #tpu.memory_space<vmem>>, vector<16xf32>,
    %get3A_870 = vector.shape_cast %get3A_869 : vector<16xf32> to vector<16xf32>
    %get3A_871 = arith.constant 464 : index
    %get3A_872 = tpu.vector_load %arg12[%get3A_871] {strides = array<i32>} : memref<512xf32, #tpu.memory_space<vmem>>, vector<16xf32>,
    %get3A_873 = vector.shape_cast %get3A_872 : vector<16xf32> to vector<16xf32>
    %add3A_874 = arith.addf %get3A_870, %get3A_873 : vector<16xf32>
    %add3A_875 = arith.addf %scan3A_514#29, %add3A_874 : vector<16xf32>
    %swap3A_876 = arith.constant 464 : index
    %swap3A_877 = tpu.vector_load %arg16[%swap3A_876] {strides = array<i32>} : memref<512xf32, #tpu.memory_space<vmem>>, vector<16xf32>,
    %swap3A_878 = vector.shape_cast %swap3A_877 : vector<16xf32> to vector<16xf32>
    %swap3A_879 = vector.shape_cast %add3A_875 : vector<16xf32> to vector<16xf32>
    tpu.vector_store %arg16[%swap3A_876], %swap3A_879 {strides = array<i32>} : memref<512xf32, #tpu.memory_space<vmem>>, vector<16xf32>,
    %get3A_880 = arith.constant 480 : index
    %get3A_881 = tpu.vector_load %arg11[%get3A_880] {strides = array<i32>} : memref<512xf32, #tpu.memory_space<vmem>>, vector<16xf32>,
    %get3A_882 = vector.shape_cast %get3A_881 : vector<16xf32> to vector<16xf32>
    %get3A_883 = arith.constant 480 : index
    %get3A_884 = tpu.vector_load %arg12[%get3A_883] {strides = array<i32>} : memref<512xf32, #tpu.memory_space<vmem>>, vector<16xf32>,
    %get3A_885 = vector.shape_cast %get3A_884 : vector<16xf32> to vector<16xf32>
    %add3A_886 = arith.addf %get3A_882, %get3A_885 : vector<16xf32>
    %add3A_887 = arith.addf %scan3A_514#30, %add3A_886 : vector<16xf32>
    %swap3A_888 = arith.constant 480 : index
    %swap3A_889 = tpu.vector_load %arg16[%swap3A_888] {strides = array<i32>} : memref<512xf32, #tpu.memory_space<vmem>>, vector<16xf32>,
    %swap3A_890 = vector.shape_cast %swap3A_889 : vector<16xf32> to vector<16xf32>
    %swap3A_891 = vector.shape_cast %add3A_887 : vector<16xf32> to vector<16xf32>
    tpu.vector_store %arg16[%swap3A_888], %swap3A_891 {strides = array<i32>} : memref<512xf32, #tpu.memory_space<vmem>>, vector<16xf32>,
    %get3A_892 = arith.constant 496 : index
    %get3A_893 = tpu.vector_load %arg11[%get3A_892] {strides = array<i32>} : memref<512xf32, #tpu.memory_space<vmem>>, vector<16xf32>,
    %get3A_894 = vector.shape_cast %get3A_893 : vector<16xf32> to vector<16xf32>
    %get3A_895 = arith.constant 496 : index
    %get3A_896 = tpu.vector_load %arg12[%get3A_895] {strides = array<i32>} : memref<512xf32, #tpu.memory_space<vmem>>, vector<16xf32>,
    %get3A_897 = vector.shape_cast %get3A_896 : vector<16xf32> to vector<16xf32>
    %add3A_898 = arith.addf %get3A_894, %get3A_897 : vector<16xf32>
    %add3A_899 = arith.addf %scan3A_514#31, %add3A_898 : vector<16xf32>
    %swap3A_900 = arith.constant 496 : index
    %swap3A_901 = tpu.vector_load %arg16[%swap3A_900] {strides = array<i32>} : memref<512xf32, #tpu.memory_space<vmem>>, vector<16xf32>,
    %swap3A_902 = vector.shape_cast %swap3A_901 : vector<16xf32> to vector<16xf32>
    %swap3A_903 = vector.shape_cast %add3A_899 : vector<16xf32> to vector<16xf32>
    tpu.vector_store %arg16[%swap3A_900], %swap3A_903 {strides = array<i32>} : memref<512xf32, #tpu.memory_space<vmem>>, vector<16xf32>,
    "tpu.region"() ({
      %run_scoped3A = tpu.sem_alloc : memref<!tpu.dma_semaphore, #tpu.memory_space<semaphore_mem>>
      %dma_start3A_904 = tpu.memref_slice %arg8[%mul3A_2] : memref<16384xf32, #tpu.memory_space<hbm>> -> memref<512xf32, #tpu.memory_space<hbm>>
      %dma_start3A_905 = tpu.memref_slice %arg8[%mul3A_2] : memref<16384xf32, #tpu.memory_space<hbm>> -> memref<512xf32, #tpu.memory_space<hbm>>
      tpu.enqueue_dma source(%arg16 : memref<512xf32, #tpu.memory_space<vmem>>) target(%dma_start3A_905 : memref<512xf32, #tpu.memory_space<hbm>>) target_semaphore(%run_scoped3A : memref<!tpu.dma_semaphore, #tpu.memory_space<semaphore_mem>>)
      %dma_wait3A_906 = tpu.memref_slice %arg8[%mul3A_2] : memref<16384xf32, #tpu.memory_space<hbm>> -> memref<512xf32, #tpu.memory_space<hbm>>
      %dma_wait3A_907 = tpu.memref_slice %arg8[%mul3A_2] : memref<16384xf32, #tpu.memory_space<hbm>> -> memref<512xf32, #tpu.memory_space<hbm>>
      tpu.wait_dma2 semaphore(%run_scoped3A : memref<!tpu.dma_semaphore, #tpu.memory_space<semaphore_mem>>) src(%arg16 : memref<512xf32, #tpu.memory_space<vmem>>) dst(%dma_wait3A_907 : memref<512xf32, #tpu.memory_space<hbm>>)
      tpu.yield
    }) : () -> ()
    return
  }
}

</mosaic_0001>

<sc_bundles>
// kernel: _run.3.cloned.1.call-start
scs
__scs_entry_jumppad:
0x0: {  	(pc) =	sbr.rel $0x88, $3  }
0x1: {  	(tag) =	ssettag $0x0;
	lr =	simm.s32 $0x1  }
0x2: {  	[smem:$0x3F9B] =	sst lr;
	_ =	strace $0xD0000000  }
0x3: {  	_ = 	snop  }
0x4: {  	_ = 	snop  }
0x5: {  	_ = 	snop  }
0x6: {  	_ = 	snop  }
0x7: {  	_ = 	snop  }
__scs_overlays_trampoline_lowered:
0x8: {  	[smem:$0x3FAA] =	sst s0  }
0x9: {  	[smem:$0x3FAB] =	sst s1  }
0xa: {  	[smem:$0x3FAC] =	sst s2  }
0xb: {  	[smem:$0x3FAD] =	sst s3  }
0xc: {  	[smem:$0x3FAE] =	sst s4  }
0xd: {  	[smem:$0x3FAF] =	sst s5  }
0xe: {  	[smem:$0x3FB0] =	sst s6  }
0xf: {  	[smem:$0x3FB1] =	sst s7  }
0x10: {  	[smem:$0x3FB2] =	sst s8  }
0x11: {  	[smem:$0x3FB3] =	sst s9;
	s0 =	simm.s32 @!p0 $0x0  }
0x12: {  	s1 =	sld [smem:$0x3F99];
	s0 =	simm.s32 @p0 $0x1  }
0x13: {  	[smem:$0x3FB4] =	sst s0;
	s0 =	simm.s32 @!p1 $0x0  }
0x14: {  	s2 =	sld [smem:$0x3F98];
	s0 =	simm.s32 @p1 $0x1  }
0x15: {  	[smem:$0x3FB5] =	sst s0;
	s0 =	simm.s32 @!p2 $0x0  }
0x16: {  	s3 =	sld [smem:$0x3FDB];
	s0 =	simm.s32 @p2 $0x1  }
0x17: {  	s4 =	simm.s32 $0x1BF5;
	[smem:$0x3FB7] =	sst s0  }
0x18: {  	s0 =	sld [smem:$0x3F9A];
	_ =	swait.ge [sflag:s4], $0x0  }
0x19: {  	s7 =	sld [smem:$0x3F9B]  }
0x1a: {  	s8 =	sadd.s32 $0xFFFFE003, lr  }
0x1b: {  	s9 =	sadd.s32 $0xFFFFFEF7, lr;
	s5 =	simm.s32 $0xFFFFFFFF;
	p2 =	slt.u32 s8, $0xFFFFF086  }
0x1c: {  	p1 =	slt.u32 s9, $0xF7A;
	s5 =	simm.s32 @!p2 $0x0  }
0x1d: {  	s5 =	simm.s32 @p1 $0x1;
	p0 =	seq.s32 s7, s2  }
0x1e: {  	s7 =	smul.u32 @!p0 $0xF7A, s2;
	p2 =	seq.s32 @!p0 s5, $0x0  }
0x1f: {  	s9 =	smul.u32 $0xF7A, s1;
	s8 =	simm.s32 @!p0 $0x1BF5;
	p2 =	por !p2, p0  }
0x20: {  	[sflag:s8] =	ssyncset.s32 @!p0 $0xFFFFF086;
	s6 =	sadd.s32 @!p0 s3, s7;
	s7 =	simm.s32 @!p0 $0x108  }
0x21: {  	s3 =	sadd.s32 s3, s9;
	s6 =	sadd.s32 @!p0 $0x88, s6;
	s7 =	simm.s32 @p2 $0x1082  }
0x22: {  	[simem:s7], [sflag:s8] =	dma.local @!p0 [hbm:s6], $0xF7A  }
0x23: {  	s9 =	sor.u32 $0xD0000000, s2;
	s6 =	simm.s32 $0x108;
	_ =	swait.ge @!p0 [sflag:s8], $0x0  }
0x24: {  	s3 =	sadd.s32 $0x88, s3;
	s6 =	simm.s32 @!p1 $0x1082;
	[sflag:s4] =	ssyncset.s32 $0xFFFFF086  }
0x25: {  	[simem:s6], [sflag:s4] =	dma.local [hbm:s3], $0xF7A  }
0x26: {  	[smem:$0x3F9B] =	sst s1;
	(tag) =	ssettag s2;
	_ =	strace s9  }
0x27: {  	s1 =	sld [smem:$0x3FAB]  }
0x28: {  	s2 =	sld [smem:$0x3FAC]  }
0x29: {  	s4 =	sld [smem:$0x3FAE]  }
0x2a: {  	p0 =	seq.s32 s5, $0x0;
	s5 =	sld [smem:$0x3FAF]  }
0x2b: {  	s6 =	sld [smem:$0x3FB0]  }
0x2c: {  	s7 =	sld [smem:$0x3FB1]  }
0x2d: {  	s3 =	simm.s32 $0x108;
	s8 =	sld [smem:$0x3FB2]  }
0x2e: {  	s3 =	simm.s32 @!p0 $0x1082;
	s9 =	sld [smem:$0x3FB3]  }
0x2f: {  	lr =	sadd.s32 s0, s3;
	s0 =	sld [smem:$0x3FAA]  }
0x30: {  	s3 =	sld [smem:$0x3FAD]  }
0x31: {  	[smem:$0x3FB6] =	sst s10  }
0x32: {  	s10 =	sld [smem:$0x3FB4];
	_ =	sdelay $0x3  }
0x33: {  	p0 =	seq.s32 s10, $0x1;
	s10 =	sld [smem:$0x3FB6];
	_ =	sdelay $0x3  }
0x34: {  	[smem:$0x3FB6] =	sst s10  }
0x35: {  	s10 =	sld [smem:$0x3FB5];
	_ =	sdelay $0x3  }
0x36: {  	p1 =	seq.s32 s10, $0x1;
	s10 =	sld [smem:$0x3FB6];
	_ =	sdelay $0x3  }
0x37: {  	[smem:$0x3FB6] =	sst s10  }
0x38: {  	s10 =	sld [smem:$0x3FB7]  }
0x39: {  	_ = 	snop;
	(pc) =	sbr.ind lr, $3  }
0x3a: {  	_ = 	snop  }
0x3b: {  	_ = 	snop  }
0x3c: {  	p2 =	seq.s32 s10, $0x1;
	s10 =	sld [smem:$0x3FB6]  }
0x3d: {  	_ =	shalt  }
0x3e: {  	_ =	shalt  }
0x3f: {  	_ =	shalt  }
0x40: {  	_ =	shalt  }
0x41: {  	_ =	shalt  }
0x42: {  	_ =	shalt  }
0x43: {  	_ =	shalt  }
0x44: {  	_ =	shalt  }
0x45: {  	_ =	shalt  }
0x46: {  	_ =	shalt  }
0x47: {  	_ =	shalt  }
0x48: {  	_ =	shalt  }
0x49: {  	_ =	shalt  }
0x4a: {  	_ =	shalt  }
0x4b: {  	_ =	shalt  }
0x4c: {  	_ =	shalt  }
0x4d: {  	_ =	shalt  }
0x4e: {  	_ =	shalt  }
0x4f: {  	_ =	shalt  }
0x50: {  	_ =	shalt  }
0x51: {  	_ =	shalt  }
0x52: {  	_ =	shalt  }
0x53: {  	_ =	shalt  }
0x54: {  	_ =	shalt  }
0x55: {  	_ =	shalt  }
0x56: {  	_ =	shalt  }
0x57: {  	_ =	shalt  }
0x58: {  	_ =	shalt  }
0x59: {  	_ =	shalt  }
0x5a: {  	_ =	shalt  }
0x5b: {  	_ =	shalt  }
0x5c: {  	_ =	shalt  }
0x5d: {  	_ =	shalt  }
0x5e: {  	_ =	shalt  }
0x5f: {  	_ =	shalt  }
0x60: {  	_ =	shalt  }
0x61: {  	_ =	shalt  }
0x62: {  	_ =	shalt  }
0x63: {  	_ =	shalt  }
0x64: {  	_ =	shalt  }
0x65: {  	_ =	shalt  }
0x66: {  	_ =	shalt  }
0x67: {  	_ =	shalt  }
0x68: {  	_ =	shalt  }
0x69: {  	_ =	shalt  }
0x6a: {  	_ =	shalt  }
0x6b: {  	_ =	shalt  }
0x6c: {  	_ =	shalt  }
0x6d: {  	_ =	shalt  }
0x6e: {  	_ =	shalt  }
0x6f: {  	_ =	shalt  }
0x70: {  	_ =	shalt  }
0x71: {  	_ =	shalt  }
0x72: {  	_ =	shalt  }
0x73: {  	_ =	shalt  }
0x74: {  	_ =	shalt  }
0x75: {  	_ =	shalt  }
0x76: {  	_ =	shalt  }
0x77: {  	_ =	shalt  }
0x78: {  	_ =	shalt  }
0x79: {  	_ =	shalt  }
0x7a: {  	_ =	shalt  }
0x7b: {  	_ =	shalt  }
0x7c: {  	_ =	shalt  }
0x7d: {  	_ =	shalt  }
0x7e: {  	_ =	shalt  }
0x7f: {  	_ =	shalt  }
0x80: {  	_ =	shalt  }
0x81: {  	_ =	shalt  }
0x82: {  	_ =	shalt  }
0x83: {  	_ =	shalt  }
0x84: {  	_ =	shalt  }
0x85: {  	_ =	shalt  }
0x86: {  	_ =	shalt  }
0x87: {  	_ =	shalt  }
.Lfunc_end0:
.L_simem_size_0:
called_computation_lowered:
.L_overlay_start_0:
0x88: {  	s2 =	sld [smem:$0x3FD9]  }
0x89: {  	s3 =	sld [smem:$0x3FFE];
	_ =	sdelay $0x1  }
0x8a: {  	s1 =	srdreg.scid  }
0x8b: {  	s0 =	sand.u32 $0x1, s1  }
0x8c: {  	s18 =	sshll.u32 s0, $0xA;
	s2 =	sadd.s32 s3, s2  }
0x8d: {  	s2 =	sadd.s32 s2, s18  }
0x8e: {  	[smem:$0x3FC2] =	sst s2  }
0x8f: {  	_ = 	snop  }
0x90: {  	s2 =	sld [smem:$0x3FC9]  }
0x91: {  	s19 =	sld [smem:$0x3FC8]  }
0x92: {  	s4 =	sld [smem:$0x3FC7]  }
0x93: {  	s5 =	sld [smem:$0x3FC6]  }
0x94: {  	s6 =	sld [smem:$0x3FC5]  }
0x95: {  	s7 =	sld [smem:$0x3FC4]  }
0x96: {  	s8 =	sld [smem:$0x3FD0];
	(tm) =	ssettm $0x1  }
0x97: {  	s9 =	sld [smem:$0x3FFB];
	_ =	sdelay $0x3  }
0x98: {  	_ =	strace s9  }
0x99: {  	s9 =	sld [smem:$0x3FFC];
	_ =	sdelay $0x3  }
0x9a: {  	_ =	strace s9  }
0x9b: {  	s9 =	sld [smem:$0x3FFD];
	_ =	sdelay $0x3  }
0x9c: {  	_ =	strace s9  }
0x9d: {  	_ =	strace $0x8FFFFFFF  }
0x9e: {  	s20 =	sld [smem:$0x3FDB];
	_ =	sdelay $0x1  }
0x9f: {  	s10 =	simm.s32 $_scs_section_size  }
0xa0: {  	s11 =	simm.s32 $_size__tile_overlayer_lowered;
	s12 =	simm.s32 $_tile_overlayer_lowered  }
0xa1: {  	s23 =	simm.s32 $0x1BFF;
	s22 =	sshll.u32 s12, $0x1;
	s9 =	sadd.s32 s10, s20  }
0xa2: {  	s13 =	simm.s32 $0x0;
	s21 =	sshll.u32 s11, $0x1;
	s11 =	sadd.s32 s22, s9  }
0xa3: {  	[timem:s13], [sflag:s23] =	dma.local [hbm:s11], s21  }
0xa4: {  	_ =	swait.ge [sflag:s23], s21  }
0xa5: {  	s10 =	ssub.s32 $0x0, s21;
	[sflag:s23] =	ssyncset.done $0x0  }
0xa6: {  	[sflag:s23] =	ssyncadd.s32 s10;
	_ =	sdelay $0x1  }
0xa7: {  	s24 =	simm.s32 $0x1B8B  }
0xa8: {  	_ =	swait.ge [sflag:s24], $0x1  }
0xa9: {  	[sflag:s24] =	ssyncset.done $0x0  }
0xaa: {  	s25 =	simm.s32 $0x1B8E;
	[sflag:s24] =	ssyncadd.s32 $0xFFFFFFFF  }
0xab: {  	s26 =	simm.s32 $execute0_lowered;
	[smem:$0x3FD2] =	sst s25  }
0xac: {  	s10 =	sshll.u32 s26, $0x1;
	_ =	strace $0x80000046;
	[dreg:$0x1] =	wrdreg $0xFFFFFFFF  }
0xad: {  	s28 =	simm.s32 $_size_execute0_lowered;
	s9 =	sadd.s32 s9, s10;
	[dreg:$0x0] =	wrdreg $0x0  }
0xae: {  	s10 =	sshll.u32 s28, $0x1;
	[dreg:$0x2] =	wrdreg s9  }
0xaf: {  	[dreg:$0x3] =	wrdreg s10  }
0xb0: {  	[dreg:$0x4] =	wrdreg $0xC0  }
0xb1: {  	_ =	task [dreg:s13], $0x5FFFF  }
0xb2: {  	[dreg:$0x1] =	wrdreg $0xFFFFFFFF  }
0xb3: {  	[dreg:$0x0] =	wrdreg $0x60  }
0xb4: {  	[dreg:$0x2] =	wrdreg s2  }
0xb5: {  	[dreg:$0x3] =	wrdreg s19  }
0xb6: {  	[dreg:$0x4] =	wrdreg s4  }
0xb7: {  	[dreg:$0x5] =	wrdreg s5  }
0xb8: {  	[dreg:$0x6] =	wrdreg s6  }
0xb9: {  	[dreg:$0x7] =	wrdreg s7  }
0xba: {  	[dreg:$0x8] =	wrdreg s8  }
0xbb: {  	[dreg:$0x9] =	wrdreg $0x9  }
0xbc: {  	_ =	task.clear_ibuf [dreg:s13], $0xAFFFF;
	_ =	strace $0x90000046  }
0xbd: {  	s29 =	simm.s32 $0x9;
	_ =	strace $0x80000048  }
0xbe: {  	_ =	swait.ge [sflag:s29], $0x1  }
0xbf: {  	[sflag:s29] =	ssyncadd.s32 $0xFFFFFFFF  }
0xc0: {  	_ =	strace $0x90000048  }
0xc1: {  	_ =	sfence  }
0xc2: {  	s30 =	sld [smem:$0x0];
	_ =	sdelay $0x2  }
0xc3: {  	s31 =	sshll.u32 s1, $0xD;
	s1 =	sshrl.u32 s1, $0x2  }
0xc4: {  	s3 =	sand.u32 $0x4000, s31;
	s1 =	sadd.s32 s1, s30  }
0xc5: {  	s0 =	sor.u32 s3, s0;
	s1 =	sshll.u32 s1, $0x11  }
0xc6: {  	s0 =	sor.u32 s1, s0  }
0xc7: {  	s0 =	sadd.s32 $0x8F2B, s0  }
0xc8: {  	[sflag:s0] =	ssyncadd.remote.s32 $0x1  }
0xc9: {  	_ =	sfence.sel $0xFFFF  }
0xca: {  	[dreg:$0x0] =	wrdreg $0xFFFFFFFF;
	(pc) =	sbr.abs _section_cstart, $3  }
0xcb: {  	[dreg:$0x1] =	wrdreg $0xFFFFFFFF  }
0xcc: {  	_ =	task.clear_ibuf [dreg:s13], $0x2FFFF;
	_ =	strace $0x9FFFFFFF  }
0xcd: {  	(tm) =	ssettm $0x7FFFFFFF  }
tec
execute0_lowered:
.L_overlay_start_1:
0x0: {  	(tag) =	ssettag $0x1  }
0x1: {  	s0 =	rddreg [dreg:$0x0]  }
0x2: {  	s7 =	rddreg [dreg:$0x1]  }
0x3: {  	s8 =	rddreg [dreg:$0x2]  }
0x4: {  	s1 =	rddreg [dreg:$0x3]  }
0x5: {  	s2 =	rddreg [dreg:$0x4]  }
0x6: {  	s4 =	rddreg [dreg:$0x5]  }
0x7: {  	s10 =	rddreg [dreg:$0x6]  }
0x8: {  	s5 =	srdreg.scid;
	s3 =	stileid.u32;
	s13 =	simm.s32 $0x20000  }
0x9: {  	s14 =	simm.s32 $0x800;
	s15 =	simm.s32 $0x200;
	s16 =	simm.s32 $0x1  }
0xa: {  	s17 =	simm.s32 $0x400;
	s18 =	simm.s32 $0x600;
	s19 =	simm.s32 $0x4800  }
0xb: {  	s20 =	simm.s32 $0x8800;
	s21 =	simm.s32 $0x4;
	s22 =	simm.s32 $0x2  }
0xc: {  	s23 =	simm.s32 $0x3;
	s24 =	simm.s32 $0x8C80;
	s25 =	simm.s32 $0x0  }
0xd: {  	s6 =	sand.u32 $0x1, s5;
	s5 =	simm.s32 $0x0;
	s9 =	sshll.u32 s3, $0xA  }
0xe: {  	s11 =	sshll.u32 s6, $0x9;
	[smem:$0x7FF] =	sst s5;
	s6 =	ssub.s32 $0x2, s6  }
0xf: {  	s9 =	sor.u32 s11, s9;
	_ =	strace $0x80000047;
	s31 =	sshrl.u32 s6, $0x1  }
0x10: {  	s12 =	sshrl.u32 s9, $0x3;
	s11 =	ssub.s32 s6, s31;
	s6 =	sadd.s32 s0, s9  }
0x11: {  	s7 =	sadd.s32 s7, s12;
	s8 =	sadd.s32 s8, s12;
	s9 =	sadd.s32 $0x10000, s6  }
0x12: {  	s10 =	sadd.s32 s10, s12;
	s11 =	smax.u32 s11, $0x1;
	s12 =	simm.s32 $0x1000  }
.LBB2_1:
0x13: {  	[tilespmem:s14], [sflag:$0x2] =	stream.strided.gather [hbm4b:s6+s12], $0x4000, s13, s12, $0x38;
	[tilespmem:$0x8E80] =	vst v63  }
0x14: {  	_ = 	snop  }
0x15: {  	[tilespmem:s5], [sflag:$0x1] =	stream.linear.gather [hbm4b:s7+s5], $0x200, $0x38;
	[tilespmem:$0x8E80] =	vst v63  }
0x16: {  	_ = 	snop  }
0x17: {  	[tilespmem:s15], [sflag:$0x1] =	stream.linear.gather [hbm4b:s8+s5], $0x200, $0x38;
	[tilespmem:$0x8E80] =	vst v63  }
0x18: {  	_ =	swait.ge [sflag:s16], $0x200  }
0x19: {  	[sflag:s16] =	ssyncset.done $0x0  }
0x1a: {  	[sflag:s16] =	ssyncadd.s32 $0xFFFFFE00  }
0x1b: {  	_ =	swait.ge [sflag:s16], $0x200  }
0x1c: {  	[sflag:s16] =	ssyncset.done $0x0  }
0x1d: {  	[sflag:s16] =	ssyncadd.s32 $0xFFFFFE00  }
0x1e: {  	[tilespmem:s17], [sflag:$0x1] =	stream.indirect.gather [hbm4b:s2+s15], $0x1, s5, s15, $0xb8;
	[tilespmem:$0x8E80] =	vst v63  }
0x1f: {  	_ = 	snop  }
0x20: {  	[tilespmem:s18], [sflag:$0x1] =	stream.indirect.gather [hbm4b:s4+s15], $0x1, s15, s15, $0xb8;
	[tilespmem:$0x8E80] =	vst v63  }
0x21: {  	_ = 	snop  }
0x22: {  	[tilespmem:s19], [sflag:$0x3] =	stream.strided.gather [hbm4b:s9+s12], $0x4000, s13, s12, $0x38;
	[tilespmem:$0x8E80] =	vst v63  }
0x23: {  	_ = 	snop  }
0x24: {  	[tilespmem:s20], [sflag:$0x4] =	stream.linear.gather [hbm4b:s1+s5], $0x80, $0x38;
	[tilespmem:$0x8E80] =	vst v63  }
0x25: {  	_ =	swait.ge [sflag:s21], $0x80  }
0x26: {  	[sflag:s21] =	ssyncset.done $0x0  }
0x27: {  	[sflag:s21] =	ssyncadd.s32 $0xFFFFFF80  }
0x28: {  	v0 =	vld [tilespmem:$0x8800];
	_ =	sdelay $0x4  }
0x29: {  	v1 =	vbroadcast v0, $0x0  }
0x2a: {  	v2 =	vbroadcast v0, $0x1  }
0x2b: {  	[tilespmem:$0x8880] =	vst v1;
	v1 =	vbroadcast v0, $0x2  }
0x2c: {  	[tilespmem:$0x8890] =	vst v2;
	v2 =	vbroadcast v0, $0x3  }
0x2d: {  	[tilespmem:$0x88A0] =	vst v1;
	v1 =	vbroadcast v0, $0x4  }
0x2e: {  	[tilespmem:$0x88B0] =	vst v2;
	v2 =	vbroadcast v0, $0x5  }
0x2f: {  	[tilespmem:$0x88C0] =	vst v1;
	v1 =	vbroadcast v0, $0x6  }
0x30: {  	[tilespmem:$0x88D0] =	vst v2;
	v2 =	vbroadcast v0, $0x7  }
0x31: {  	[tilespmem:$0x88E0] =	vst v1;
	v1 =	vbroadcast v0, $0x8  }
0x32: {  	[tilespmem:$0x88F0] =	vst v2;
	v2 =	vbroadcast v0, $0x9  }
0x33: {  	[tilespmem:$0x8900] =	vst v1;
	v1 =	vbroadcast v0, $0xA  }
0x34: {  	v3 =	vld [tilespmem:$0x8810];
	[tilespmem:$0x8910] =	vst v2;
	v2 =	vbroadcast v0, $0xB  }
0x35: {  	[tilespmem:$0x8920] =	vst v1;
	v1 =	vbroadcast v0, $0xC  }
0x36: {  	[tilespmem:$0x8930] =	vst v2;
	v2 =	vbroadcast v0, $0xD  }
0x37: {  	[tilespmem:$0x8940] =	vst v1;
	v1 =	vbroadcast v0, $0xE  }
0x38: {  	[tilespmem:$0x8950] =	vst v2;
	v0 =	vbroadcast v0, $0xF  }
0x39: {  	[tilespmem:$0x8960] =	vst v1;
	v1 =	vbroadcast v3, $0x0  }
0x3a: {  	[tilespmem:$0x8970] =	vst v0;
	v0 =	vbroadcast v3, $0x1  }
0x3b: {  	[tilespmem:$0x8980] =	vst v1;
	v1 =	vbroadcast v3, $0x2  }
0x3c: {  	[tilespmem:$0x8990] =	vst v0;
	v0 =	vbroadcast v3, $0x3  }
0x3d: {  	[tilespmem:$0x89A0] =	vst v1;
	v1 =	vbroadcast v3, $0x4  }
0x3e: {  	[tilespmem:$0x89B0] =	vst v0;
	v0 =	vbroadcast v3, $0x5  }
0x3f: {  	[tilespmem:$0x89C0] =	vst v1;
	v1 =	vbroadcast v3, $0x6  }
0x40: {  	[tilespmem:$0x89D0] =	vst v0;
	v0 =	vbroadcast v3, $0x7  }
0x41: {  	[tilespmem:$0x89E0] =	vst v1;
	v1 =	vbroadcast v3, $0x8  }
0x42: {  	[tilespmem:$0x89F0] =	vst v0;
	v0 =	vbroadcast v3, $0x9  }
0x43: {  	[tilespmem:$0x8A00] =	vst v1;
	v1 =	vbroadcast v3, $0xA  }
0x44: {  	v2 =	vld [tilespmem:$0x8820];
	[tilespmem:$0x8A10] =	vst v0;
	v0 =	vbroadcast v3, $0xB  }
0x45: {  	[tilespmem:$0x8A20] =	vst v1;
	v1 =	vbroadcast v3, $0xC  }
0x46: {  	[tilespmem:$0x8A30] =	vst v0;
	v0 =	vbroadcast v3, $0xD  }
0x47: {  	[tilespmem:$0x8A40] =	vst v1;
	v1 =	vbroadcast v3, $0xE  }
0x48: {  	[tilespmem:$0x8A50] =	vst v0;
	v0 =	vbroadcast v3, $0xF  }
0x49: {  	[tilespmem:$0x8A60] =	vst v1;
	v1 =	vbroadcast v2, $0x0  }
0x4a: {  	[tilespmem:$0x8A70] =	vst v0;
	v0 =	vbroadcast v2, $0x1  }
0x4b: {  	[tilespmem:$0x8A80] =	vst v1;
	v1 =	vbroadcast v2, $0x2  }
0x4c: {  	[tilespmem:$0x8A90] =	vst v0;
	v0 =	vbroadcast v2, $0x3  }
0x4d: {  	[tilespmem:$0x8AA0] =	vst v1;
	v1 =	vbroadcast v2, $0x4  }
0x4e: {  	[tilespmem:$0x8AB0] =	vst v0;
	v0 =	vbroadcast v2, $0x5  }
0x4f: {  	[tilespmem:$0x8AC0] =	vst v1;
	v1 =	vbroadcast v2, $0x6  }
0x50: {  	[tilespmem:$0x8AD0] =	vst v0;
	v0 =	vbroadcast v2, $0x7  }
0x51: {  	[tilespmem:$0x8AE0] =	vst v1;
	v1 =	vbroadcast v2, $0x8  }
0x52: {  	[tilespmem:$0x8AF0] =	vst v0;
	v0 =	vbroadcast v2, $0x9  }
0x53: {  	[tilespmem:$0x8B00] =	vst v1;
	v1 =	vbroadcast v2, $0xA  }
0x54: {  	v3 =	vld [tilespmem:$0x8830];
	[tilespmem:$0x8B10] =	vst v0;
	v0 =	vbroadcast v2, $0xB  }
0x55: {  	[tilespmem:$0x8B20] =	vst v1;
	v1 =	vbroadcast v2, $0xC  }
0x56: {  	[tilespmem:$0x8B30] =	vst v0;
	v0 =	vbroadcast v2, $0xD  }
0x57: {  	[tilespmem:$0x8B40] =	vst v1;
	v1 =	vbroadcast v2, $0xE  }
0x58: {  	[tilespmem:$0x8B50] =	vst v0;
	v0 =	vbroadcast v2, $0xF  }
0x59: {  	[tilespmem:$0x8B60] =	vst v1;
	v1 =	vbroadcast v3, $0x0  }
0x5a: {  	[tilespmem:$0x8B70] =	vst v0;
	v0 =	vbroadcast v3, $0x1  }
0x5b: {  	[tilespmem:$0x8B80] =	vst v1;
	v1 =	vbroadcast v3, $0x2  }
0x5c: {  	[tilespmem:$0x8B90] =	vst v0;
	v0 =	vbroadcast v3, $0x3  }
0x5d: {  	[tilespmem:$0x8BA0] =	vst v1;
	v1 =	vbroadcast v3, $0x4  }
0x5e: {  	[tilespmem:$0x8BB0] =	vst v0;
	v0 =	vbroadcast v3, $0x5  }
0x5f: {  	[tilespmem:$0x8BC0] =	vst v1;
	v1 =	vbroadcast v3, $0x6  }
0x60: {  	[tilespmem:$0x8BD0] =	vst v0;
	v0 =	vbroadcast v3, $0x7  }
0x61: {  	[tilespmem:$0x8BE0] =	vst v1;
	v1 =	vbroadcast v3, $0x8  }
0x62: {  	[tilespmem:$0x8BF0] =	vst v0;
	v0 =	vbroadcast v3, $0x9  }
0x63: {  	[tilespmem:$0x8C00] =	vst v1;
	v1 =	vbroadcast v3, $0xA  }
0x64: {  	[tilespmem:$0x8C10] =	vst v0;
	v0 =	vbroadcast v3, $0xB  }
0x65: {  	[tilespmem:$0x8C20] =	vst v1;
	v1 =	vbroadcast v3, $0xC  }
0x66: {  	[tilespmem:$0x8C30] =	vst v0;
	v0 =	vbroadcast v3, $0xD  }
0x67: {  	[tilespmem:$0x8C40] =	vst v1;
	v1 =	vbroadcast v3, $0xE  }
0x68: {  	[tilespmem:$0x8C50] =	vst v0;
	v0 =	vbroadcast v3, $0xF  }
0x69: {  	[tilespmem:$0x8C60] =	vst v1  }
0x6a: {  	[tilespmem:$0x8C70] =	vst v0  }
0x6b: {  	v0 =	vld [tilespmem:$0x8840];
	_ =	swait.ge [sflag:s22], $0x4000  }
0x6c: {  	[sflag:s22] =	ssyncset.done $0x0  }
0x6d: {  	[sflag:s22] =	ssyncadd.s32 $0xFFFFC000  }
0x6e: {  	_ =	swait.ge [sflag:s23], $0x4000  }
0x6f: {  	s0 =	simm.s32 $0x8880;
	[sflag:s23] =	ssyncset.done $0x0  }
0x70: {  	s26 =	sand.u32 $0x7000, s5;
	s28 =	sand.u32 $0x380, s5;
	[sflag:s23] =	ssyncadd.s32 $0xFFFFC000  }
0x71: {  	s30 =	sor.u32 s28, s26;
	v1 =	vld [tilespmem:s0+$0x0]  }
0x72: {  	v2 =	vld [tilespmem:s30+$0x1470]  }
0x73: {  	v3 =	vld [tilespmem:s30+$0x800]  }
0x74: {  	v4 =	vld [tilespmem:s30+$0x810]  }
0x75: {  	v5 =	vld [tilespmem:s30+$0x820]  }
0x76: {  	v6 =	vld [tilespmem:s30+$0x830]  }
0x77: {  	v7 =	vld [tilespmem:s30+$0x840]  }
0x78: {  	v8 =	vld [tilespmem:s30+$0x850]  }
0x79: {  	v9 =	vld [tilespmem:s30+$0x860]  }
0x7a: {  	v10 =	vld [tilespmem:s30+$0x870]  }
0x7b: {  	v11 =	vld [tilespmem:s30+$0xC00]  }
0x7c: {  	v12 =	vld [tilespmem:s30+$0xC10]  }
0x7d: {  	v13 =	vld [tilespmem:s30+$0xC20]  }
0x7e: {  	v14 =	vld [tilespmem:s30+$0xC30]  }
0x7f: {  	v15 =	vld [tilespmem:s30+$0xC40];
	v2 =	vmul.f32 v2, v1;
	v3 =	vmul.f32 v3, v1  }
0x80: {  	v16 =	vld [tilespmem:s30+$0xC50];
	v4 =	vmul.f32 v4, v1;
	v5 =	vmul.f32 v5, v1  }
0x81: {  	v17 =	vld [tilespmem:s30+$0xC60];
	v6 =	vmul.f32 v6, v1;
	v7 =	vmul.f32 v7, v1  }
0x82: {  	v18 =	vld [tilespmem:s30+$0xC70];
	v8 =	vmul.f32 v8, v1;
	v9 =	vmul.f32 v9, v1  }
0x83: {  	v19 =	vld [tilespmem:s30+$0x1000];
	v10 =	vmul.f32 v10, v1;
	v11 =	vmul.f32 v11, v1  }
0x84: {  	v20 =	vld [tilespmem:s30+$0x1010];
	v12 =	vmul.f32 v12, v1;
	v13 =	vmul.f32 v13, v1  }
0x85: {  	v21 =	vld [tilespmem:s30+$0x1020];
	v14 =	vmul.f32 v14, v1;
	v15 =	vmul.f32 v15, v1  }
0x86: {  	v22 =	vld [tilespmem:s30+$0x1030];
	v16 =	vmul.f32 v16, v1;
	v17 =	vmul.f32 v17, v1;
	v23 =	vadd.f32 v2, v0  }
0x87: {  	v24 =	vld [tilespmem:s30+$0x1040];
	v18 =	vmul.f32 v18, v1;
	v2 =	vadd.f32 v3, v0;
	v3 =	vadd.f32 v4, v0  }
0x88: {  	v25 =	vld [tilespmem:s30+$0x1050];
	v19 =	vmul.f32 v19, v1;
	v4 =	vadd.f32 v5, v0;
	v5 =	vadd.f32 v6, v0  }
0x89: {  	v27 =	vld [tilespmem:s30+$0x1070];
	v20 =	vmul.f32 v20, v1;
	v6 =	vadd.f32 v7, v0;
	v7 =	vadd.f32 v8, v0  }
0x8a: {  	v26 =	vld [tilespmem:s30+$0x1060];
	v21 =	vmul.f32 v21, v1;
	v8 =	vadd.f32 v9, v0;
	v9 =	vadd.f32 v10, v0  }
0x8b: {  	v28 =	vld [tilespmem:s30+$0x1400];
	v22 =	vmul.f32 v22, v1;
	v10 =	vadd.f32 v11, v0;
	v11 =	vadd.f32 v12, v0  }
0x8c: {  	v29 =	vld [tilespmem:s30+$0x1410];
	v24 =	vmul.f32 v24, v1;
	v12 =	vadd.f32 v13, v0;
	v13 =	vadd.f32 v14, v0  }
0x8d: {  	v25 =	vmul.f32 v25, v1;
	v14 =	vadd.f32 v15, v0;
	v15 =	vadd.f32 v16, v0  }
0x8e: {  	v34 =	vld [tilespmem:s30+$0x1420];
	v27 =	vmul.f32 v27, v1;
	v16 =	vadd.f32 v17, v0;
	v17 =	vadd.f32 v18, v0  }
0x8f: {  	v32 =	vmovc v0;
	v35 =	vld [tilespmem:s30+$0x1430];
	v26 =	vmul.f32 v26, v1;
	v18 =	vadd.f32 v19, v0;
	v19 =	vadd.f32 v20, v0  }
0x90: {  	v31 =	vmovc v0;
	v36 =	vld [tilespmem:s30+$0x1440];
	v39 =	vmul.f32 v28, v1;
	v20 =	vadd.f32 v21, v0;
	v21 =	vadd.f32 v22, v0  }
0x91: {  	s29 =	simm.s32 $0x400;
	s28 =	simm.s32 $0x80;
	v30 =	vmovc v0;
	s0 =	simm.s32 $0x200;
	v37 =	vld [tilespmem:s30+$0x1450];
	v40 =	vmul.f32 v29, v1;
	v22 =	vadd.f32 v24, v0;
	v24 =	vadd.f32 v25, v0  }
0x92: {  	s26 =	simm.s32 $0x8890;
	v38 =	vld [tilespmem:s30+$0x1460];
	s31 =	sand.u32 $0x7000, s0;
	s0 =	sand.u32 $0x380, s28;
	v29 =	vmovc v0;
	v28 =	vmovc v0;
	v25 =	vadd.f32 v26, v0;
	v26 =	vadd.f32 v27, v0;
	v27 =	vmov v0  }
.LBB2_2:
0x93: {  	p0 =	sne.s32 s29, $0x7E00;
	v33 =	vld [tilespmem:s26+$0x0];
	s30 =	sor.u32 s0, s31;
	v0 =	vadd.f32 v39, v0;
	v34 =	vmul.f32 v34, v1  }
0x94: {  	v39 =	vld [tilespmem:s30+$0x1470];
	v32 =	vadd.f32 v40, v32;
	v35 =	vmul.f32 v35, v1  }
0x95: {  	v40 =	vld [tilespmem:s30+$0x800];
	v31 =	vadd.f32 v34, v31;
	v34 =	vmul.f32 v36, v1  }
0x96: {  	v36 =	vld [tilespmem:s30+$0x810];
	v29 =	vadd.f32 v35, v29;
	v35 =	vmul.f32 v37, v1  }
0x97: {  	v37 =	vld [tilespmem:s30+$0x820];
	v30 =	vadd.f32 v34, v30;
	v34 =	vmul.f32 v38, v1  }
0x98: {  	v38 =	vld [tilespmem:s30+$0x830];
	v27 =	vadd.f32 v35, v27;
	v1 =	vmov v33  }
0x99: {  	v33 =	vld [tilespmem:s30+$0x840];
	v35 =	vmul.f32 v39, v1;
	v28 =	vadd.f32 v34, v28  }
0x9a: {  	v34 =	vmul.f32 v40, v1;
	v39 =	vld [tilespmem:s30+$0x850]  }
0x9b: {  	v36 =	vmul.f32 v36, v1;
	v40 =	vld [tilespmem:s30+$0x860];
	v23 =	vadd.f32 v35, v23  }
0x9c: {  	v2 =	vadd.f32 v34, v2;
	v34 =	vmul.f32 v37, v1;
	v35 =	vld [tilespmem:s30+$0x870]  }
0x9d: {  	v3 =	vadd.f32 v36, v3;
	v36 =	vmul.f32 v38, v1;
	v37 =	vld [tilespmem:s30+$0xC00]  }
0x9e: {  	v4 =	vadd.f32 v34, v4;
	v33 =	vmul.f32 v33, v1;
	v34 =	vld [tilespmem:s30+$0xC10]  }
0x9f: {  	v5 =	vadd.f32 v36, v5;
	v36 =	vmul.f32 v39, v1;
	v38 =	vld [tilespmem:s30+$0xC20]  }
0xa0: {  	v6 =	vadd.f32 v33, v6;
	v33 =	vmul.f32 v40, v1;
	v39 =	vld [tilespmem:s30+$0xC30]  }
0xa1: {  	v7 =	vadd.f32 v36, v7;
	v35 =	vmul.f32 v35, v1;
	v36 =	vld [tilespmem:s30+$0xC40]  }
0xa2: {  	v8 =	vadd.f32 v33, v8;
	v33 =	vmul.f32 v37, v1;
	v37 =	vld [tilespmem:s30+$0xC50]  }
0xa3: {  	v9 =	vadd.f32 v35, v9;
	v34 =	vmul.f32 v34, v1;
	v35 =	vld [tilespmem:s30+$0xC60]  }
0xa4: {  	v10 =	vadd.f32 v33, v10;
	v33 =	vmul.f32 v38, v1;
	v38 =	vld [tilespmem:s30+$0xC70]  }
0xa5: {  	v11 =	vadd.f32 v34, v11;
	v34 =	vmul.f32 v39, v1;
	v39 =	vld [tilespmem:s30+$0x1000]  }
0xa6: {  	v12 =	vadd.f32 v33, v12;
	v33 =	vmul.f32 v36, v1;
	v36 =	vld [tilespmem:s30+$0x1010]  }
0xa7: {  	v13 =	vadd.f32 v34, v13;
	v34 =	vmul.f32 v37, v1;
	v37 =	vld [tilespmem:s30+$0x1020]  }
0xa8: {  	v14 =	vadd.f32 v33, v14;
	v33 =	vmul.f32 v35, v1;
	v35 =	vld [tilespmem:s30+$0x1030]  }
0xa9: {  	v15 =	vadd.f32 v34, v15;
	v34 =	vmul.f32 v38, v1;
	v38 =	vld [tilespmem:s30+$0x1040]  }
0xaa: {  	v16 =	vadd.f32 v33, v16;
	v33 =	vmul.f32 v39, v1;
	v39 =	vld [tilespmem:s30+$0x1050]  }
0xab: {  	v17 =	vadd.f32 v34, v17;
	v34 =	vmul.f32 v36, v1;
	v36 =	vld [tilespmem:s30+$0x1060]  }
0xac: {  	v18 =	vadd.f32 v33, v18;
	v33 =	vmul.f32 v37, v1;
	v37 =	vld [tilespmem:s30+$0x1070]  }
0xad: {  	v19 =	vadd.f32 v34, v19;
	v34 =	vmul.f32 v35, v1;
	v40 =	vld [tilespmem:s30+$0x1400]  }
0xae: {  	v20 =	vadd.f32 v33, v20;
	v33 =	vmul.f32 v38, v1;
	v38 =	vld [tilespmem:s30+$0x1410]  }
.Ltmp0:
0xaf: {  	v21 =	vadd.f32 v34, v21;
	v39 =	vmul.f32 v39, v1;
	v34 =	vld [tilespmem:s30+$0x1420];
	(pc) =	sbr.rel @p0 .LBB2_2-.Ltmp0, $4  }
0xb0: {  	v22 =	vadd.f32 v33, v22;
	v33 =	vmul.f32 v36, v1;
	v35 =	vld [tilespmem:s30+$0x1430]  }
0xb1: {  	v24 =	vadd.f32 v39, v24;
	v41 =	vmul.f32 v37, v1;
	v36 =	vld [tilespmem:s30+$0x1440]  }
0xb2: {  	s28 =	sadd.s32 $0x80, s28;
	s26 =	sadd.s32 $0x10, s26;
	v25 =	vadd.f32 v33, v25;
	v39 =	vmul.f32 v40, v1;
	v37 =	vld [tilespmem:s30+$0x1450]  }
0xb3: {  	s31 =	sand.u32 $0x7000, s29;
	s29 =	sadd.s32 $0x200, s29;
	s0 =	sand.u32 $0x380, s28;
	v26 =	vadd.f32 v41, v26;
	v40 =	vmul.f32 v38, v1;
	v38 =	vld [tilespmem:s30+$0x1460]  }
0xb4: {  	s0 =	sor.u32 s0, s31  }
0xb5: {  	v63 =	vld [tilespmem:s0+$0x1050];
	_ =	sdelay $0x4  }
0xb6: {  	[tilespmem:$0x1FEB0] =	vst v63;
	v63 =	vld [tilespmem:s0+$0x1060];
	_ =	sdelay $0x4  }
0xb7: {  	[tilespmem:$0x1FEC0] =	vst v63;
	v63 =	vld [tilespmem:s0+$0x1070];
	_ =	sdelay $0x4  }
0xb8: {  	[tilespmem:$0x1FED0] =	vst v63;
	v63 =	vld [tilespmem:s0+$0x1400];
	_ =	sdelay $0x4  }
0xb9: {  	[tilespmem:$0x1FEE0] =	vst v63;
	v63 =	vld [tilespmem:s0+$0x1410];
	_ =	sdelay $0x3  }
0xba: {  	v33 =	vld [tilespmem:s26+$0x0]  }
0xbb: {  	[tilespmem:$0x1FEF0] =	vst v63;
	v63 =	vld [tilespmem:s0+$0x1420]  }
0xbc: {  	v41 =	vld [tilespmem:s0+$0x1470]  }
0xbd: {  	v42 =	vld [tilespmem:s0+$0x800]  }
0xbe: {  	v43 =	vld [tilespmem:s0+$0x810]  }
0xbf: {  	v44 =	vld [tilespmem:s0+$0x820]  }
0xc0: {  	[tilespmem:$0x1FF00] =	vst v63;
	v63 =	vld [tilespmem:s0+$0x1430]  }
0xc1: {  	v45 =	vld [tilespmem:s0+$0x830]  }
0xc2: {  	v46 =	vld [tilespmem:s0+$0x840]  }
0xc3: {  	v47 =	vld [tilespmem:s0+$0x850]  }
0xc4: {  	v48 =	vld [tilespmem:s0+$0x860]  }
0xc5: {  	[tilespmem:$0x1FF10] =	vst v63;
	v63 =	vld [tilespmem:s0+$0x1440]  }
0xc6: {  	v49 =	vld [tilespmem:s0+$0x870]  }
0xc7: {  	v50 =	vld [tilespmem:s0+$0xC00]  }
0xc8: {  	v51 =	vld [tilespmem:s0+$0xC10]  }
0xc9: {  	v52 =	vld [tilespmem:s0+$0xC20]  }
0xca: {  	[tilespmem:$0x1FF20] =	vst v63;
	v63 =	vld [tilespmem:s0+$0x1450]  }
0xcb: {  	v53 =	vld [tilespmem:s0+$0xC30]  }
0xcc: {  	v54 =	vld [tilespmem:s0+$0xC40]  }
0xcd: {  	v39 =	vadd.f32 v39, v0;
	v0 =	vmul.f32 v34, v1;
	v55 =	vld [tilespmem:s0+$0xC50]  }
0xce: {  	v56 =	vld [tilespmem:s0+$0xC60];
	v35 =	vmul.f32 v35, v1;
	v36 =	vmul.f32 v36, v1  }
0xcf: {  	v31 =	vadd.f32 v0, v31;
	v0 =	vmul.f32 v37, v1;
	v1 =	vmul.f32 v38, v1;
	[tilespmem:$0x1FF30] =	vst v63;
	v63 =	vld [tilespmem:s0+$0x1460]  }
0xd0: {  	v57 =	vld [tilespmem:s0+$0xC70];
	v41 =	vmul.f32 v41, v33  }
0xd1: {  	v58 =	vld [tilespmem:s0+$0x1000];
	v1 =	vadd.f32 v1, v28;
	v28 =	vmul.f32 v42, v33  }
0xd2: {  	v59 =	vld [tilespmem:s0+$0x1010];
	v27 =	vadd.f32 v0, v27;
	v0 =	vadd.f32 v41, v23  }
0xd3: {  	v60 =	vld [tilespmem:s0+$0x1020];
	v23 =	vmul.f32 v43, v33;
	v2 =	vadd.f32 v28, v2;
	v28 =	vmul.f32 v48, v33  }
0xd4: {  	v61 =	vld [tilespmem:s0+$0x1030];
	v48 =	vmul.f32 v49, v33;
	v49 =	vmul.f32 v50, v33;
	[tilespmem:$0x1FF40] =	vst v63  }
0xd5: {  	v62 =	vld [tilespmem:s0+$0x1040];
	v50 =	vmul.f32 v51, v33;
	v51 =	vmul.f32 v52, v33;
	_ =	swait.ge [sflag:s16], $0x200  }
0xd6: {  	v52 =	vmul.f32 v53, v33;
	v53 =	vmul.f32 v54, v33;
	[sflag:s16] =	ssyncset.done $0x0  }
0xd7: {  	v54 =	vmul.f32 v56, v33;
	v56 =	vmul.f32 v58, v33;
	[sflag:s16] =	ssyncadd.s32 $0xFFFFFE00  }
0xd8: {  	v3 =	vadd.f32 v23, v3;
	v23 =	vmul.f32 v55, v33;
	v55 =	vmul.f32 v57, v33;
	_ =	swait.ge [sflag:s16], $0x200  }
0xd9: {  	v57 =	vmul.f32 v59, v33;
	v59 =	vmul.f32 v61, v33;
	v61 =	vld [tilespmem:$0x1FEB0]  }
0xda: {  	v58 =	vmul.f32 v60, v33;
	v60 =	vmul.f32 v62, v33;
	[sflag:s16] =	ssyncset.done $0x0;
	v62 =	vld [tilespmem:$0x1FEC0]  }
0xdb: {  	v19 =	vadd.f32 v57, v19;
	v57 =	vld [tilespmem:$0x1FED0];
	[sflag:s16] =	ssyncadd.s32 $0xFFFFFE00  }
0xdc: {  	v63 =	vld [tilespmem:$0x400]  }
0xdd: {  	v20 =	vadd.f32 v58, v20;
	v58 =	vld [tilespmem:$0x1FEE0]  }
0xde: {  	v21 =	vadd.f32 v59, v21;
	v59 =	vld [tilespmem:$0x1FEF0]  }
0xdf: {  	v22 =	vadd.f32 v60, v22;
	v60 =	vld [tilespmem:$0x1FF00]  }
0xe0: {  	v34 =	vld [tilespmem:$0x460]  }
0xe1: {  	[tilespmem:$0x1FF50] =	vst v63;
	v63 =	vld [tilespmem:$0x600]  }
0xe2: {  	v32 =	vadd.f32 v40, v32;
	v40 =	vld [tilespmem:$0x660]  }
0xe3: {  	v37 =	vld [tilespmem:$0x470]  }
0xe4: {  	v30 =	vadd.f32 v36, v30;
	v36 =	vld [tilespmem:$0x670]  }
0xe5: {  	v38 =	vld [tilespmem:$0x480]  }
0xe6: {  	[tilespmem:$0x1FF60] =	vst v63;
	v63 =	vld [tilespmem:$0x410]  }
0xe7: {  	v29 =	vadd.f32 v35, v29;
	v35 =	vmul.f32 v44, v33;
	v41 =	vld [tilespmem:$0x680]  }
0xe8: {  	v43 =	vld [tilespmem:$0x490]  }
0xe9: {  	v4 =	vadd.f32 v35, v4;
	v35 =	vld [tilespmem:$0x690]  }
0xea: {  	v45 =	vmul.f32 v45, v33;
	v42 =	vld [tilespmem:$0x4A0]  }
0xeb: {  	v47 =	vmul.f32 v47, v33;
	[tilespmem:$0x1FF70] =	vst v63;
	v63 =	vld [tilespmem:$0x610]  }
0xec: {  	v5 =	vadd.f32 v45, v5;
	v45 =	vld [tilespmem:$0x6A0]  }
0xed: {  	v46 =	vmul.f32 v46, v33;
	v7 =	vadd.f32 v47, v7;
	v47 =	vld [tilespmem:$0x4B0]  }
0xee: {  	v44 =	vld [tilespmem:$0x6B0]  }
0xef: {  	v6 =	vadd.f32 v46, v6;
	v46 =	vld [tilespmem:$0x4C0]  }
0xf0: {  	[tilespmem:$0x1FF80] =	vst v63;
	v63 =	vld [tilespmem:$0x420]  }
0xf1: {  	v10 =	vadd.f32 v49, v10;
	v49 =	vld [tilespmem:$0x6C0]  }
0xf2: {  	v12 =	vadd.f32 v51, v12;
	v51 =	vld [tilespmem:$0x4D0]  }
0xf3: {  	v9 =	vadd.f32 v48, v9;
	v48 =	vld [tilespmem:$0x6D0]  }
0xf4: {  	v11 =	vadd.f32 v50, v11;
	v50 =	vld [tilespmem:$0x4E0]  }
0xf5: {  	[tilespmem:$0x1FF90] =	vst v63;
	v63 =	vld [tilespmem:$0x620]  }
0xf6: {  	v14 =	vadd.f32 v53, v14;
	v53 =	vld [tilespmem:$0x6E0]  }
0xf7: {  	v17 =	vadd.f32 v55, v17;
	v55 =	vld [tilespmem:$0x4F0]  }
0xf8: {  	v8 =	vadd.f32 v28, v8;
	v28 =	vmul.f32 v61, v33;
	v61 =	vld [tilespmem:$0x1FF10]  }
0xf9: {  	v16 =	vadd.f32 v54, v16;
	v54 =	vmul.f32 v62, v33;
	v62 =	vld [tilespmem:$0x1FF20]  }
0xfa: {  	v18 =	vadd.f32 v56, v18;
	v56 =	vmul.f32 v60, v33;
	[tilespmem:$0x1FFA0] =	vst v63;
	v63 =	vld [tilespmem:$0x430]  }
0xfb: {  	v60 =	vld [tilespmem:$0x1FF40]  }
0xfc: {  	v31 =	vadd.f32 v56, v31;
	v56 =	vld [tilespmem:$0x1FF30]  }
0xfd: {  	v13 =	vadd.f32 v52, v13;
	v15 =	vadd.f32 v23, v15;
	v52 =	vld [tilespmem:$0x6F0];
	v23 =	vmul.f32 v57, v33  }
0xfe: {  	v57 =	vld [tilespmem:$0x700];
	v24 =	vadd.f32 v28, v24;
	v28 =	vmul.f32 v58, v33  }
0xff: {  	v23 =	vadd.f32 v23, v26;
	v26 =	vmul.f32 v59, v33;
	[tilespmem:$0x1FFB0] =	vst v63;
	v63 =	vld [tilespmem:$0x630]  }
0x100: {  	v28 =	vadd.f32 v28, v39;
	v39 =	vmul.f32 v61, v33;
	v58 =	vmul.f32 v62, v33;
	v61 =	vld [tilespmem:$0x1FF50]  }
0x101: {  	v26 =	vadd.f32 v26, v32;
	v32 =	vmul.f32 v56, v33;
	v33 =	vmul.f32 v60, v33;
	v62 =	vld [tilespmem:$0x1FF60]  }
0x102: {  	v25 =	vadd.f32 v54, v25;
	v54 =	vld [tilespmem:$0x500]  }
0x103: {  	v1 =	vadd.f32 v33, v1;
	v33 =	vld [tilespmem:$0x1FF70]  }
0x104: {  	[tilespmem:$0x1FFC0] =	vst v63;
	v63 =	vld [tilespmem:$0x440]  }
0x105: {  	v37 =	vadd.f32 v36, v37;
	v36 =	vadd.f32 v35, v43;
	v60 =	vld [tilespmem:$0x1FF80]  }
0x106: {  	v59 =	vld [tilespmem:$0x510];
	v27 =	vadd.f32 v32, v27;
	v32 =	vadd.f32 v62, v61  }
0x107: {  	v43 =	vadd.f32 v49, v46;
	v49 =	vadd.f32 v52, v55;
	v52 =	vld [tilespmem:$0x7A0]  }
0x108: {  	v2 =	vadd.f32 v32, v2;
	v32 =	vld [tilespmem:$0x1FF90]  }
0x109: {  	[tilespmem:$0x1FFD0] =	vst v63;
	v63 =	vld [tilespmem:$0x640]  }
0x10a: {  	v33 =	vadd.f32 v60, v33;
	v61 =	vld [tilespmem:$0x1FFA0]  }
0x10b: {  	v55 =	vld [tilespmem:$0x5B0]  }
0x10c: {  	v3 =	vadd.f32 v33, v3;
	v33 =	vld [tilespmem:$0x1FFB0]  }
0x10d: {  	v62 =	vld [tilespmem:$0x1FFC0]  }
0x10e: {  	[tilespmem:$0x1FFE0] =	vst v63;
	v63 =	vld [tilespmem:$0x450]  }
0x10f: {  	v35 =	vld [tilespmem:$0x7C0];
	v32 =	vadd.f32 v61, v32  }
0x110: {  	v60 =	vld [tilespmem:$0x530]  }
0x111: {  	[tilespmem:$0x8C80] =	vst v2;
	v2 =	vadd.f32 v32, v4;
	v4 =	vld [tilespmem:$0x1FFD0]  }
0x112: {  	v33 =	vadd.f32 v62, v33;
	v32 =	vld [tilespmem:$0x1FFE0]  }
0x113: {  	[tilespmem:$0x1FFF0] =	vst v63;
	v63 =	vld [tilespmem:$0x650]  }
0x114: {  	[tilespmem:$0x8C90] =	vst v3;
	v3 =	vadd.f32 v33, v5;
	v33 =	vld [tilespmem:$0x1FFF0]  }
0x115: {  	v61 =	vld [tilespmem:$0x730]  }
0x116: {  	v46 =	vadd.f32 v43, v14;
	v14 =	vld [tilespmem:$0x790]  }
0x117: {  	v56 =	vld [tilespmem:$0x710];
	v29 =	vadd.f32 v39, v29  }
0x118: {  	v30 =	vadd.f32 v58, v30;
	v39 =	vld [tilespmem:$0x520];
	v4 =	vadd.f32 v32, v4  }
0x119: {  	[tilespmem:$0x8D40] =	vst v46;
	v58 =	vld [tilespmem:$0x720];
	v5 =	vadd.f32 v63, v33;
	v63 =	vadd.f32 v40, v34  }
0x11a: {  	[tilespmem:$0x8CA0] =	vst v2;
	v60 =	vadd.f32 v61, v60;
	v61 =	vld [tilespmem:$0x5C0];
	v2 =	vadd.f32 v4, v6  }
0x11b: {  	v62 =	vld [tilespmem:$0x540];
	[tilespmem:$0x8CB0] =	vst v3;
	v34 =	vadd.f32 v5, v7;
	v40 =	vadd.f32 v63, v8  }
0x11c: {  	v32 =	vld [tilespmem:$0x740];
	[tilespmem:$0x8CC0] =	vst v2;
	v63 =	vadd.f32 v41, v38;
	v41 =	vadd.f32 v44, v47  }
0x11d: {  	v6 =	vld [tilespmem:$0x750];
	v47 =	vadd.f32 v53, v50;
	v53 =	vadd.f32 v49, v17;
	[tilespmem:$0x8CD0] =	vst v34  }
0x11e: {  	v33 =	vld [tilespmem:$0x550];
	v38 =	vadd.f32 v45, v42;
	v34 =	vadd.f32 v37, v9;
	[tilespmem:$0x8CE0] =	vst v40  }
0x11f: {  	v7 =	vld [tilespmem:$0x560];
	v45 =	vadd.f32 v48, v51;
	v37 =	vadd.f32 v63, v10;
	[tilespmem:$0x8D70] =	vst v53  }
0x120: {  	v8 =	vld [tilespmem:$0x760];
	v51 =	vadd.f32 v57, v54;
	v40 =	vadd.f32 v36, v11;
	[tilespmem:$0x8CF0] =	vst v34  }
0x121: {  	v57 =	vadd.f32 v58, v39;
	v58 =	vld [tilespmem:$0x7B0];
	v42 =	vadd.f32 v38, v12;
	[tilespmem:$0x8D00] =	vst v37  }
0x122: {  	v9 =	vld [tilespmem:$0x570];
	v44 =	vadd.f32 v41, v13;
	[tilespmem:$0x8D10] =	vst v40  }
0x123: {  	v10 =	vld [tilespmem:$0x770];
	v48 =	vadd.f32 v45, v15;
	[tilespmem:$0x8D20] =	vst v42  }
0x124: {  	v54 =	vadd.f32 v56, v59;
	v11 =	vld [tilespmem:$0x580];
	v50 =	vadd.f32 v47, v16;
	[tilespmem:$0x8D30] =	vst v44  }
0x125: {  	v12 =	vld [tilespmem:$0x780];
	v56 =	vadd.f32 v51, v18;
	[tilespmem:$0x8D50] =	vst v48  }
0x126: {  	v13 =	vld [tilespmem:$0x590];
	v59 =	vadd.f32 v54, v19;
	[tilespmem:$0x8D60] =	vst v50  }
0x127: {  	v15 =	vld [tilespmem:$0x5A0];
	v63 =	vadd.f32 v57, v20;
	v57 =	vadd.f32 v35, v61;
	[tilespmem:$0x8D80] =	vst v56  }
0x128: {  	v36 =	vadd.f32 v60, v21;
	v38 =	vld [tilespmem:$0x5D0];
	v34 =	vadd.f32 v32, v62;
	[tilespmem:$0x8D90] =	vst v59  }
0x129: {  	v41 =	vld [tilespmem:$0x7D0];
	v37 =	vadd.f32 v6, v33;
	[tilespmem:$0x8DA0] =	vst v63;
	v60 =	vadd.f32 v57, v30  }
0x12a: {  	v47 =	vld [tilespmem:$0x7E0];
	[tilespmem:$0x8DB0] =	vst v36;
	v40 =	vadd.f32 v8, v7;
	v39 =	vadd.f32 v34, v22  }
0x12b: {  	v53 =	vld [tilespmem:$0x7F0];
	v55 =	vadd.f32 v58, v55;
	v42 =	vadd.f32 v37, v24;
	[tilespmem:$0x8E40] =	vst v60  }
0x12c: {  	v44 =	vld [tilespmem:$0x5E0];
	v43 =	vadd.f32 v10, v9;
	v45 =	vadd.f32 v40, v25;
	[tilespmem:$0x8DC0] =	vst v39  }
0x12d: {  	v50 =	vld [tilespmem:$0x5F0];
	v46 =	vadd.f32 v12, v11;
	v58 =	vadd.f32 v55, v29;
	[tilespmem:$0x8DD0] =	vst v42  }
0x12e: {  	v49 =	vadd.f32 v14, v13;
	v48 =	vadd.f32 v43, v23;
	[tilespmem:$0x8DE0] =	vst v45  }
0x12f: {  	v52 =	vadd.f32 v52, v15;
	v51 =	vadd.f32 v46, v28;
	[tilespmem:$0x8E30] =	vst v58  }
0x130: {  	v59 =	vadd.f32 v41, v38;
	v54 =	vadd.f32 v49, v26;
	[tilespmem:$0x8DF0] =	vst v48  }
0x131: {  	v56 =	vadd.f32 v52, v31;
	v61 =	vadd.f32 v47, v44;
	[tilespmem:$0x8E00] =	vst v51  }
0x132: {  	v62 =	vadd.f32 v59, v27;
	v63 =	vadd.f32 v53, v50;
	[tilespmem:$0x8E10] =	vst v54  }
0x133: {  	[tilespmem:$0x8E20] =	vst v56;
	v1 =	vadd.f32 v61, v1  }
0x134: {  	s25 =	sadd.s32 $0x1, s25;
	[tilespmem:$0x8E50] =	vst v62;
	v0 =	vadd.f32 v63, v0  }
0x135: {  	p0 =	sne.s32 s25, s11;
	[tilespmem:$0x8E60] =	vst v1  }
.Ltmp1:
0x136: {  	[tilespmem:$0x8E70] =	vst v0;
	(pc) =	sbr.rel @p0 .LBB2_1-.Ltmp1, $4  }
0x137: {  	[hbm4b:s10+s5] =	stream.linear.scatter [tilespmem:s24], [sflag:$0x4], $0x200, $0x38;
	[tilespmem:$0x8E80] =	vst v63  }
0x138: {  	_ =	swait.ge [sflag:s21], $0x200  }
0x139: {  	[sflag:s21] =	ssyncset.done $0x0  }
0x13a: {  	[sflag:s21] =	ssyncadd.s32 $0xFFFFFE00  }
0x13b: {  	_ =	sfence.sel $0x180000  }
0x13c: {  	[bflag:$0x0] =	sbarrier.arrive $0xFFFF  }
0x13d: {  	_ =	strace $0x90000047  }
0x13e: {  	[bflag:$0x2] =	sbarrier.arrive $0xFFFF  }
0x13f: {  	p0 =	sne.s32 s3, $0x0;
	s0 =	rddreg [dreg:$0x7]  }
0x140: {  	s0 =	sadd.s32 @!p0 $0x100000, s0  }
0x141: {  	[sflag:s0] =	ssyncadd.tile.s32 @!p0 $0x1;
	_ =	shalt  }
.Lfunc_end2:
_tile_overlayer_lowered:
.L_overlay_start_2:
0x142: {  	(tag) =	ssettag $0x2  }
0x143: {  	s0 =	rddreg [dreg:$0x0];
	s2 =	stileid.u32  }
0x144: {  	s1 =	rddreg [dreg:$0x1];
	p0 =	sne.s32 s2, $0x0  }
0x145: {  	s3 =	rddreg [dreg:$0x2];
	[bflag:$0x3] =	sbarrier.arrive $0xFFFF;
	s2 =	simm.s32 @!p0 $0x1C04  }
0x146: {  	[timem:s3], [sflag:s2] =	dma.local @!p0 [hbm:s0], s1  }
0x147: {  	s0 =	simm.s32 @!p0 $0x4  }
0x148: {  	_ =	swait.ge @!p0 [sflag:s0], s1  }
0x149: {  	s1 =	ssub.s32 @!p0 $0x0, s1;
	[sflag:s0] =	ssyncset.done @!p0 $0x0  }
0x14a: {  	[sflag:s0] =	ssyncadd.s32 @!p0 s1  }
0x14b: {  	[bflag:$0x3] =	sbarrier.arrive $0xFFFF  }
0x14c: {  	_ =	shalt  }

</sc_bundles>
